<compile_context>
chip_gen: v7x
topology: tpu7x:2x2x1
jax: 0.10.2.dev20260603
libtpu: 0.0.44.dev20260713+nightly
codegen_flags: <defaults>
</compile_context>

<pallas_src>
import functools

import jax
import jax.numpy as jnp
from jax import lax
from jax.experimental import pallas as pl
from jax.experimental.pallas import tpu as pltpu
from jax.experimental.pallas import tpu_sc as plsc

NTOKEN = 100000
EMB = 16
BATCH = 1024
CTX = 20

NC = 2
NS = 16
NW = NC * NS
IDX_PER_W = BATCH * CTX // NW
ROWS_PER_W = BATCH // NW
CHUNK = 128

TN = 1024
NOB = 8
NGROUPS = 12
N_FULL = 97
TAIL = NTOKEN - N_FULL * TN


def _sc_pool_body(idx_hbm, table_hbm, out_hbm, idx_v, rows_v, hid_v, sem):
    wid = lax.axis_index("s") * NC + lax.axis_index("c")
    base = wid * IDX_PER_W
    pltpu.sync_copy(idx_hbm.at[pl.ds(base, IDX_PER_W)], idx_v)
    copies = []
    for k in range(IDX_PER_W // CHUNK):
        copies.append(
            pltpu.async_copy(
                table_hbm.at[idx_v.at[pl.ds(k * CHUNK, CHUNK)]],
                rows_v.at[pl.ds(k * CHUNK, CHUNK)],
                sem,
            )
        )
    for c in copies:
        c.wait()

    @pl.loop(0, ROWS_PER_W)
    def _(e):
        r0 = e * CTX
        acc = rows_v[pl.ds(r0, 1), :]
        for c in range(1, CTX):
            acc = acc + rows_v[pl.ds(r0 + c, 1), :]
        hid_v[pl.ds(e, 1), :] = acc * (1.0 / CTX)

    pltpu.sync_copy(hid_v, out_hbm.at[pl.ds(wid * ROWS_PER_W, ROWS_PER_W)])


def _sc_hidden(idx_flat, emb_table):
    mesh = plsc.VectorSubcoreMesh(core_axis_name="c", subcore_axis_name="s")
    k = pl.kernel(
        _sc_pool_body,
        out_type=jax.ShapeDtypeStruct((BATCH, EMB), jnp.float32),
        mesh=mesh,
        compiler_params=pltpu.CompilerParams(use_tc_tiling_on_sc=False),
        scratch_types=[
            pltpu.VMEM((IDX_PER_W,), jnp.int32),
            pltpu.VMEM((IDX_PER_W, EMB), jnp.float32),
            pltpu.VMEM((ROWS_PER_W, EMB), jnp.float32),
            pltpu.SemaphoreType.DMA,
        ],
    )
    return k(idx_flat, emb_table)


def _mm_body(h_ref, wt_ref, b_ref, o_hbm, *scratch):
    obufs = scratch[0:NOB]
    tbuf = scratch[NOB]
    osems = scratch[NOB + 1 : NOB + 1 + 4 * NOB]
    tsem = scratch[NOB + 1 + 4 * NOB]
    ht = jnp.transpose(h_ref[...]).astype(jnp.bfloat16)

    def tile_out(idx, width):
        wt = wt_ref[:, pl.ds(idx, width)]
        acc = jax.lax.dot_general(
            wt, ht, (((0,), (0,)), ((), ())), preferred_element_type=jnp.float32
        )
        bcol = jnp.transpose(b_ref[:, pl.ds(idx, width)])
        return acc + bcol

    NSPLIT = 2
    QROWS = TN // NSPLIT

    def oquarter(k, q, idx):
        return pltpu.make_async_copy(
            obufs[k].at[pl.ds(q * QROWS, QROWS), :],
            o_hbm.at[pl.ds(idx + q * QROWS, QROWS), :],
            osems[4 * k + q],
        )

    def ocopy_start_chunks(k, idx):
        for q in range(NSPLIT):
            oquarter(k, q, idx).start()

    def owait(k, idx):
        for q in range(NSPLIT):
            oquarter(k, q, idx).wait()

    @pl.loop(0, NGROUPS)
    def _(g):
        for k in range(NOB):
            idx = pl.multiple_of((g * NOB + k) * TN, TN)

            @pl.when(g > 0)
            def _():
                owait(k, idx)

            obufs[k][...] = tile_out(idx, TN)
            ocopy_start_chunks(k, idx)

    owait(0, 0)
    obufs[0][...] = tile_out(96 * TN, TN)
    ocopy_start_chunks(0, 96 * TN)

    tbuf[...] = tile_out(N_FULL * TN, TAIL)
    tcopy = pltpu.make_async_copy(
        tbuf, o_hbm.at[pl.ds(N_FULL * TN, TAIL), :], tsem
    )
    tcopy.start()

    for k in range(1, NOB):
        owait(k, 0)
    owait(0, 0)
    tcopy.wait()


def _decode_t(hidden, wt_bf16, b_row):
    return pl.pallas_call(
        _mm_body,
        in_specs=[
            pl.BlockSpec(memory_space=pltpu.MemorySpace.VMEM),
            pl.BlockSpec(memory_space=pltpu.MemorySpace.VMEM),
            pl.BlockSpec(memory_space=pltpu.MemorySpace.VMEM),
        ],
        out_specs=pl.BlockSpec(memory_space=pltpu.MemorySpace.HBM),
        out_shape=jax.ShapeDtypeStruct((NTOKEN, BATCH), jnp.float32),
        scratch_shapes=(
            [pltpu.VMEM((TN, BATCH), jnp.float32) for _ in range(NOB)]
            + [pltpu.VMEM((TAIL, BATCH), jnp.float32)]
            + [pltpu.SemaphoreType.DMA for _ in range(4 * NOB + 1)]
        ),
        compiler_params=pltpu.CompilerParams(
            vmem_limit_bytes=100 * 1024 * 1024,
        ),
    )(hidden, wt_bf16, b_row)


def kernel(input, emb_table, W, b):
    idx_flat = input.astype(jnp.int32).reshape(-1)
    hidden = _sc_hidden(idx_flat, emb_table)
    wt_bf16 = W.T.astype(jnp.bfloat16)
    b_row = b.reshape(1, NTOKEN)
    return _decode_t(hidden, wt_bf16, b_row).T

# --- scband reference (transcript-rebuilt; emitter-appended) ---
"""Pipeline reference for scband-cbowmodel-59906203844862 (READ-ONLY COPY).

The authoritative reference and input builder live on the scoring server;
editing this copy changes nothing except your own understanding.
"""

import jax, jax.numpy as jnp
import numpy as np

NTOKEN = 100000
EMB = 16
BATCH = 1024
CTX = 20

def setup_inputs(seed: int = 0) -> dict:
    key = jax.random.key(seed)
    k1, k2, k3, k4 = jax.random.split(key, 4)
    inp = jax.random.randint(k1, (BATCH, CTX), 0, NTOKEN, dtype=jnp.int64) if jax.config.jax_enable_x64 else jax.random.randint(k1, (BATCH, CTX), 0, NTOKEN, dtype=jnp.int32)
    # encoder embedding table (nn.Embedding default init: N(0,1))
    emb_table = jax.random.normal(k2, (NTOKEN, EMB), dtype=jnp.float32)
    # decoder Linear(emb_size, ntoken): weight [ntoken, emb_size], bias [ntoken]
    bound = 1.0 / np.sqrt(EMB)
    W = jax.random.uniform(k3, (NTOKEN, EMB), dtype=jnp.float32, minval=-bound, maxval=bound)
    b = jax.random.uniform(k4, (NTOKEN,), dtype=jnp.float32, minval=-bound, maxval=bound)
    return {"input": inp, "emb_table": emb_table, "W": W, "b": b}

def reference(input, emb_table, W, b):
    # emb = self.encoder(input)  -> gather rows
    emb = jnp.take(emb_table, input, axis=0)            # [B, CTX, EMB]
    # hidden = torch.mean(emb, axis=1)
    hidden = jnp.mean(emb, axis=1)                       # [B, EMB]
    # decoded = self.decoder(hidden)  -> Linear: h @ W.T + b
    decoded = hidden @ W.T + b                           # [B, NTOKEN]
    return decoded

if False:  # reference __main__ guard neutralized (emitter)
    out = reference(**setup_inputs())
    print(out.shape, out.dtype)

if __name__ == "__main__":
    import jax
    _d = setup_inputs()
    print(jax.jit(kernel)(*tuple(_d.values())))

</pallas_src>

<mosaic_0001>
#map = affine_map<(d0, d1) -> (0)>
#map1 = affine_map<(d0, d1) -> (0, 0)>
module attributes {stable_mosaic.version = 14 : i64} {
  func.func @_sc_pool_body(%arg0: i32, %arg1: i32, %arg2: memref<20480xi32, #tpu.memory_space<hbm>>, %arg3: memref<100000x16xf32, #tpu.memory_space<hbm>>, %arg4: memref<1024x16xf32, #tpu.memory_space<hbm>>, %arg5: memref<640xi32, #tpu.memory_space<vmem>>, %arg6: memref<640x16xf32, #tpu.memory_space<vmem>>, %arg7: memref<32x16xf32, #tpu.memory_space<vmem>>, %arg8: memref<!tpu.dma_semaphore, #tpu.memory_space<semaphore_mem>>) attributes {dimension_semantics = [#tpu.dimension_semantics<core_parallel>, #tpu.dimension_semantics<subcore_parallel>], iteration_bounds = array<i64: 2, 16>, scalar_prefetch = 0 : i64, scratch_operands = 4 : i64, tpu.core_type = #tpu.core_type<sc_vector_subcore>, window_params = [{transform_indices = #map}, {transform_indices = #map1}, {transform_indices = #map1}]} {
    %mul3A = arith.constant 2 : i32
    %mul3A_0 = arith.muli %arg1, %mul3A : i32
    %add3A = arith.addi %mul3A_0, %arg0 : i32
    %mul3A_1 = arith.constant 640 : i32
    %mul3A_2 = arith.muli %add3A, %mul3A_1 : i32
    "tpu.region"() ({
      %run_scoped3A = tpu.sem_alloc : memref<!tpu.dma_semaphore, #tpu.memory_space<semaphore_mem>>
      %dma_start3A_87 = tpu.memref_slice %arg2[%mul3A_2] : memref<20480xi32, #tpu.memory_space<hbm>> -> memref<640xi32, #tpu.memory_space<hbm>>
      %dma_start3A_88 = tpu.memref_slice %arg2[%mul3A_2] : memref<20480xi32, #tpu.memory_space<hbm>> -> memref<640xi32, #tpu.memory_space<hbm>>
      tpu.enqueue_dma source(%dma_start3A_88 : memref<640xi32, #tpu.memory_space<hbm>>) target(%arg5 : memref<640xi32, #tpu.memory_space<vmem>>) target_semaphore(%run_scoped3A : memref<!tpu.dma_semaphore, #tpu.memory_space<semaphore_mem>>)
      %dma_wait3A_89 = tpu.memref_slice %arg2[%mul3A_2] : memref<20480xi32, #tpu.memory_space<hbm>> -> memref<640xi32, #tpu.memory_space<hbm>>
      %dma_wait3A_90 = tpu.memref_slice %arg2[%mul3A_2] : memref<20480xi32, #tpu.memory_space<hbm>> -> memref<640xi32, #tpu.memory_space<hbm>>
      tpu.wait_dma2 semaphore(%run_scoped3A : memref<!tpu.dma_semaphore, #tpu.memory_space<semaphore_mem>>) src(%dma_wait3A_90 : memref<640xi32, #tpu.memory_space<hbm>>) dst(%arg5 : memref<640xi32, #tpu.memory_space<vmem>>)
      tpu.yield
    }) : () -> ()
    %dma_start3A = arith.constant 0 : i32
    %dma_start3A_3 = arith.constant 0 : i32
    %dma_start3A_4 = tpu.memref_slice %arg6[%dma_start3A, %dma_start3A_3] : memref<640x16xf32, #tpu.memory_space<vmem>> -> memref<128x16xf32, #tpu.memory_space<vmem>>
    %dma_start3A_5 = arith.constant 0 : i32
    %dma_start3A_6 = tpu.memref_slice %arg5[%dma_start3A_5] : memref<640xi32, #tpu.memory_space<vmem>> -> memref<128xi32, #tpu.memory_space<vmem>>
    %dma_start3A_7 = arith.constant 0 : i32
    %dma_start3A_8 = arith.constant 0 : i32
    %dma_start3A_9 = tpu.memref_slice %arg3[%dma_start3A_7, %dma_start3A_8] : memref<100000x16xf32, #tpu.memory_space<hbm>> -> memref<100000x16xf32, #tpu.memory_space<hbm>>
    tpu.enqueue_indirect_dma source(%dma_start3A_9 : memref<100000x16xf32, #tpu.memory_space<hbm>>) target(%dma_start3A_4 : memref<128x16xf32, #tpu.memory_space<vmem>>) offsets(%dma_start3A_6 : memref<128xi32, #tpu.memory_space<vmem>>) semaphore(%arg8 : memref<!tpu.dma_semaphore, #tpu.memory_space<semaphore_mem>>)
    %dma_start3A_10 = arith.constant 128 : i32
    %dma_start3A_11 = arith.constant 0 : i32
    %dma_start3A_12 = tpu.memref_slice %arg6[%dma_start3A_10, %dma_start3A_11] : memref<640x16xf32, #tpu.memory_space<vmem>> -> memref<128x16xf32, #tpu.memory_space<vmem>>
    %dma_start3A_13 = arith.constant 128 : i32
    %dma_start3A_14 = tpu.memref_slice %arg5[%dma_start3A_13] : memref<640xi32, #tpu.memory_space<vmem>> -> memref<128xi32, #tpu.memory_space<vmem>>
    %dma_start3A_15 = arith.constant 0 : i32
    %dma_start3A_16 = arith.constant 0 : i32
    %dma_start3A_17 = tpu.memref_slice %arg3[%dma_start3A_15, %dma_start3A_16] : memref<100000x16xf32, #tpu.memory_space<hbm>> -> memref<100000x16xf32, #tpu.memory_space<hbm>>
    tpu.enqueue_indirect_dma source(%dma_start3A_17 : memref<100000x16xf32, #tpu.memory_space<hbm>>) target(%dma_start3A_12 : memref<128x16xf32, #tpu.memory_space<vmem>>) offsets(%dma_start3A_14 : memref<128xi32, #tpu.memory_space<vmem>>) semaphore(%arg8 : memref<!tpu.dma_semaphore, #tpu.memory_space<semaphore_mem>>)
    %dma_start3A_18 = arith.constant 256 : i32
    %dma_start3A_19 = arith.constant 0 : i32
    %dma_start3A_20 = tpu.memref_slice %arg6[%dma_start3A_18, %dma_start3A_19] : memref<640x16xf32, #tpu.memory_space<vmem>> -> memref<128x16xf32, #tpu.memory_space<vmem>>
    %dma_start3A_21 = arith.constant 256 : i32
    %dma_start3A_22 = tpu.memref_slice %arg5[%dma_start3A_21] : memref<640xi32, #tpu.memory_space<vmem>> -> memref<128xi32, #tpu.memory_space<vmem>>
    %dma_start3A_23 = arith.constant 0 : i32
    %dma_start3A_24 = arith.constant 0 : i32
    %dma_start3A_25 = tpu.memref_slice %arg3[%dma_start3A_23, %dma_start3A_24] : memref<100000x16xf32, #tpu.memory_space<hbm>> -> memref<100000x16xf32, #tpu.memory_space<hbm>>
    tpu.enqueue_indirect_dma source(%dma_start3A_25 : memref<100000x16xf32, #tpu.memory_space<hbm>>) target(%dma_start3A_20 : memref<128x16xf32, #tpu.memory_space<vmem>>) offsets(%dma_start3A_22 : memref<128xi32, #tpu.memory_space<vmem>>) semaphore(%arg8 : memref<!tpu.dma_semaphore, #tpu.memory_space<semaphore_mem>>)
    %dma_start3A_26 = arith.constant 384 : i32
    %dma_start3A_27 = arith.constant 0 : i32
    %dma_start3A_28 = tpu.memref_slice %arg6[%dma_start3A_26, %dma_start3A_27] : memref<640x16xf32, #tpu.memory_space<vmem>> -> memref<128x16xf32, #tpu.memory_space<vmem>>
    %dma_start3A_29 = arith.constant 384 : i32
    %dma_start3A_30 = tpu.memref_slice %arg5[%dma_start3A_29] : memref<640xi32, #tpu.memory_space<vmem>> -> memref<128xi32, #tpu.memory_space<vmem>>
    %dma_start3A_31 = arith.constant 0 : i32
    %dma_start3A_32 = arith.constant 0 : i32
    %dma_start3A_33 = tpu.memref_slice %arg3[%dma_start3A_31, %dma_start3A_32] : memref<100000x16xf32, #tpu.memory_space<hbm>> -> memref<100000x16xf32, #tpu.memory_space<hbm>>
    tpu.enqueue_indirect_dma source(%dma_start3A_33 : memref<100000x16xf32, #tpu.memory_space<hbm>>) target(%dma_start3A_28 : memref<128x16xf32, #tpu.memory_space<vmem>>) offsets(%dma_start3A_30 : memref<128xi32, #tpu.memory_space<vmem>>) semaphore(%arg8 : memref<!tpu.dma_semaphore, #tpu.memory_space<semaphore_mem>>)
    %dma_start3A_34 = arith.constant 512 : i32
    %dma_start3A_35 = arith.constant 0 : i32
    %dma_start3A_36 = tpu.memref_slice %arg6[%dma_start3A_34, %dma_start3A_35] : memref<640x16xf32, #tpu.memory_space<vmem>> -> memref<128x16xf32, #tpu.memory_space<vmem>>
    %dma_start3A_37 = arith.constant 512 : i32
    %dma_start3A_38 = tpu.memref_slice %arg5[%dma_start3A_37] : memref<640xi32, #tpu.memory_space<vmem>> -> memref<128xi32, #tpu.memory_space<vmem>>
    %dma_start3A_39 = arith.constant 0 : i32
    %dma_start3A_40 = arith.constant 0 : i32
    %dma_start3A_41 = tpu.memref_slice %arg3[%dma_start3A_39, %dma_start3A_40] : memref<100000x16xf32, #tpu.memory_space<hbm>> -> memref<100000x16xf32, #tpu.memory_space<hbm>>
    tpu.enqueue_indirect_dma source(%dma_start3A_41 : memref<100000x16xf32, #tpu.memory_space<hbm>>) target(%dma_start3A_36 : memref<128x16xf32, #tpu.memory_space<vmem>>) offsets(%dma_start3A_38 : memref<128xi32, #tpu.memory_space<vmem>>) semaphore(%arg8 : memref<!tpu.dma_semaphore, #tpu.memory_space<semaphore_mem>>)
    %dma_wait3A = arith.constant 0 : i32
    %dma_wait3A_42 = arith.constant 0 : i32
    %dma_wait3A_43 = tpu.memref_slice %arg6[%dma_wait3A, %dma_wait3A_42] : memref<640x16xf32, #tpu.memory_space<vmem>> -> memref<128x16xf32, #tpu.memory_space<vmem>>
    %dma_wait3A_44 = arith.constant 0 : i32
    %dma_wait3A_45 = tpu.memref_slice %arg5[%dma_wait3A_44] : memref<640xi32, #tpu.memory_space<vmem>> -> memref<128xi32, #tpu.memory_space<vmem>>
    %dma_wait3A_46 = arith.constant 0 : i32
    %dma_wait3A_47 = arith.constant 0 : i32
    %dma_wait3A_48 = tpu.memref_slice %arg3[%dma_wait3A_46, %dma_wait3A_47] : memref<100000x16xf32, #tpu.memory_space<hbm>> -> memref<100000x16xf32, #tpu.memory_space<hbm>>
    tpu.wait_indirect_dma semaphore(%arg8 : memref<!tpu.dma_semaphore, #tpu.memory_space<semaphore_mem>>) src(%dma_wait3A_48 : memref<100000x16xf32, #tpu.memory_space<hbm>>) dst(%dma_wait3A_43 : memref<128x16xf32, #tpu.memory_space<vmem>>)
    %dma_wait3A_49 = arith.constant 128 : i32
    %dma_wait3A_50 = arith.constant 0 : i32
    %dma_wait3A_51 = tpu.memref_slice %arg6[%dma_wait3A_49, %dma_wait3A_50] : memref<640x16xf32, #tpu.memory_space<vmem>> -> memref<128x16xf32, #tpu.memory_space<vmem>>
    %dma_wait3A_52 = arith.constant 128 : i32
    %dma_wait3A_53 = tpu.memref_slice %arg5[%dma_wait3A_52] : memref<640xi32, #tpu.memory_space<vmem>> -> memref<128xi32, #tpu.memory_space<vmem>>
    %dma_wait3A_54 = arith.constant 0 : i32
    %dma_wait3A_55 = arith.constant 0 : i32
    %dma_wait3A_56 = tpu.memref_slice %arg3[%dma_wait3A_54, %dma_wait3A_55] : memref<100000x16xf32, #tpu.memory_space<hbm>> -> memref<100000x16xf32, #tpu.memory_space<hbm>>
    tpu.wait_indirect_dma semaphore(%arg8 : memref<!tpu.dma_semaphore, #tpu.memory_space<semaphore_mem>>) src(%dma_wait3A_56 : memref<100000x16xf32, #tpu.memory_space<hbm>>) dst(%dma_wait3A_51 : memref<128x16xf32, #tpu.memory_space<vmem>>)
    %dma_wait3A_57 = arith.constant 256 : i32
    %dma_wait3A_58 = arith.constant 0 : i32
    %dma_wait3A_59 = tpu.memref_slice %arg6[%dma_wait3A_57, %dma_wait3A_58] : memref<640x16xf32, #tpu.memory_space<vmem>> -> memref<128x16xf32, #tpu.memory_space<vmem>>
    %dma_wait3A_60 = arith.constant 256 : i32
    %dma_wait3A_61 = tpu.memref_slice %arg5[%dma_wait3A_60] : memref<640xi32, #tpu.memory_space<vmem>> -> memref<128xi32, #tpu.memory_space<vmem>>
    %dma_wait3A_62 = arith.constant 0 : i32
    %dma_wait3A_63 = arith.constant 0 : i32
    %dma_wait3A_64 = tpu.memref_slice %arg3[%dma_wait3A_62, %dma_wait3A_63] : memref<100000x16xf32, #tpu.memory_space<hbm>> -> memref<100000x16xf32, #tpu.memory_space<hbm>>
    tpu.wait_indirect_dma semaphore(%arg8 : memref<!tpu.dma_semaphore, #tpu.memory_space<semaphore_mem>>) src(%dma_wait3A_64 : memref<100000x16xf32, #tpu.memory_space<hbm>>) dst(%dma_wait3A_59 : memref<128x16xf32, #tpu.memory_space<vmem>>)
    %dma_wait3A_65 = arith.constant 384 : i32
    %dma_wait3A_66 = arith.constant 0 : i32
    %dma_wait3A_67 = tpu.memref_slice %arg6[%dma_wait3A_65, %dma_wait3A_66] : memref<640x16xf32, #tpu.memory_space<vmem>> -> memref<128x16xf32, #tpu.memory_space<vmem>>
    %dma_wait3A_68 = arith.constant 384 : i32
    %dma_wait3A_69 = tpu.memref_slice %arg5[%dma_wait3A_68] : memref<640xi32, #tpu.memory_space<vmem>> -> memref<128xi32, #tpu.memory_space<vmem>>
    %dma_wait3A_70 = arith.constant 0 : i32
    %dma_wait3A_71 = arith.constant 0 : i32
    %dma_wait3A_72 = tpu.memref_slice %arg3[%dma_wait3A_70, %dma_wait3A_71] : memref<100000x16xf32, #tpu.memory_space<hbm>> -> memref<100000x16xf32, #tpu.memory_space<hbm>>
    tpu.wait_indirect_dma semaphore(%arg8 : memref<!tpu.dma_semaphore, #tpu.memory_space<semaphore_mem>>) src(%dma_wait3A_72 : memref<100000x16xf32, #tpu.memory_space<hbm>>) dst(%dma_wait3A_67 : memref<128x16xf32, #tpu.memory_space<vmem>>)
    %dma_wait3A_73 = arith.constant 512 : i32
    %dma_wait3A_74 = arith.constant 0 : i32
    %dma_wait3A_75 = tpu.memref_slice %arg6[%dma_wait3A_73, %dma_wait3A_74] : memref<640x16xf32, #tpu.memory_space<vmem>> -> memref<128x16xf32, #tpu.memory_space<vmem>>
    %dma_wait3A_76 = arith.constant 512 : i32
    %dma_wait3A_77 = tpu.memref_slice %arg5[%dma_wait3A_76] : memref<640xi32, #tpu.memory_space<vmem>> -> memref<128xi32, #tpu.memory_space<vmem>>
    %dma_wait3A_78 = arith.constant 0 : i32
    %dma_wait3A_79 = arith.constant 0 : i32
    %dma_wait3A_80 = tpu.memref_slice %arg3[%dma_wait3A_78, %dma_wait3A_79] : memref<100000x16xf32, #tpu.memory_space<hbm>> -> memref<100000x16xf32, #tpu.memory_space<hbm>>
    tpu.wait_indirect_dma semaphore(%arg8 : memref<!tpu.dma_semaphore, #tpu.memory_space<semaphore_mem>>) src(%dma_wait3A_80 : memref<100000x16xf32, #tpu.memory_space<hbm>>) dst(%dma_wait3A_75 : memref<128x16xf32, #tpu.memory_space<vmem>>)
    %scan3A = arith.constant 0 : i32
    %scan3A_81 = arith.constant 32 : i32
    %scan3A_82 = arith.addi %scan3A, %scan3A_81 : i32
    %scan3A_83 = arith.constant 1 : i32
    scf.for %scan3A_87 = %scan3A to %scan3A_82 step %scan3A_83  : i32 {
      %mul3A_88 = arith.constant 1 : i32
      %mul3A_89 = arith.muli %scan3A_87, %mul3A_88 : i32
      %add3A_90 = arith.constant 0 : i32
      %add3A_91 = arith.addi %add3A_90, %mul3A_89 : i32
      %mul3A_92 = arith.constant 20 : i32
      %mul3A_93 = arith.muli %add3A_91, %mul3A_92 : i32
      %get3A = arith.index_cast %mul3A_93 : i32 to index
      %get3A_94 = arith.constant 0 : index
      %get3A_95 = tpu.vector_load %arg6[%get3A, %get3A_94] {strides = array<i32>} : memref<640x16xf32, #tpu.memory_space<vmem>>, vector<1x16xf32>,
      %get3A_96 = vector.shape_cast %get3A_95 : vector<1x16xf32> to vector<1x16xf32>
      %add3A_97 = arith.constant 1 : i32
      %add3A_98 = arith.addi %mul3A_93, %add3A_97 : i32
      %get3A_99 = arith.index_cast %add3A_98 : i32 to index
      %get3A_100 = arith.constant 0 : index
      %get3A_101 = tpu.vector_load %arg6[%get3A_99, %get3A_100] {strides = array<i32>} : memref<640x16xf32, #tpu.memory_space<vmem>>, vector<1x16xf32>,
      %get3A_102 = vector.shape_cast %get3A_101 : vector<1x16xf32> to vector<1x16xf32>
      %add3A_103 = arith.addf %get3A_96, %get3A_102 : vector<1x16xf32>
      %add3A_104 = arith.constant 2 : i32
      %add3A_105 = arith.addi %mul3A_93, %add3A_104 : i32
      %get3A_106 = arith.index_cast %add3A_105 : i32 to index
      %get3A_107 = arith.constant 0 : index
      %get3A_108 = tpu.vector_load %arg6[%get3A_106, %get3A_107] {strides = array<i32>} : memref<640x16xf32, #tpu.memory_space<vmem>>, vector<1x16xf32>,
      %get3A_109 = vector.shape_cast %get3A_108 : vector<1x16xf32> to vector<1x16xf32>
      %add3A_110 = arith.addf %add3A_103, %get3A_109 : vector<1x16xf32>
      %add3A_111 = arith.constant 3 : i32
      %add3A_112 = arith.addi %mul3A_93, %add3A_111 : i32
      %get3A_113 = arith.index_cast %add3A_112 : i32 to index
      %get3A_114 = arith.constant 0 : index
      %get3A_115 = tpu.vector_load %arg6[%get3A_113, %get3A_114] {strides = array<i32>} : memref<640x16xf32, #tpu.memory_space<vmem>>, vector<1x16xf32>,
      %get3A_116 = vector.shape_cast %get3A_115 : vector<1x16xf32> to vector<1x16xf32>
      %add3A_117 = arith.addf %add3A_110, %get3A_116 : vector<1x16xf32>
      %add3A_118 = arith.constant 4 : i32
      %add3A_119 = arith.addi %mul3A_93, %add3A_118 : i32
      %get3A_120 = arith.index_cast %add3A_119 : i32 to index
      %get3A_121 = arith.constant 0 : index
      %get3A_122 = tpu.vector_load %arg6[%get3A_120, %get3A_121] {strides = array<i32>} : memref<640x16xf32, #tpu.memory_space<vmem>>, vector<1x16xf32>,
      %get3A_123 = vector.shape_cast %get3A_122 : vector<1x16xf32> to vector<1x16xf32>
      %add3A_124 = arith.addf %add3A_117, %get3A_123 : vector<1x16xf32>
      %add3A_125 = arith.constant 5 : i32
      %add3A_126 = arith.addi %mul3A_93, %add3A_125 : i32
      %get3A_127 = arith.index_cast %add3A_126 : i32 to index
      %get3A_128 = arith.constant 0 : index
      %get3A_129 = tpu.vector_load %arg6[%get3A_127, %get3A_128] {strides = array<i32>} : memref<640x16xf32, #tpu.memory_space<vmem>>, vector<1x16xf32>,
      %get3A_130 = vector.shape_cast %get3A_129 : vector<1x16xf32> to vector<1x16xf32>
      %add3A_131 = arith.addf %add3A_124, %get3A_130 : vector<1x16xf32>
      %add3A_132 = arith.constant 6 : i32
      %add3A_133 = arith.addi %mul3A_93, %add3A_132 : i32
      %get3A_134 = arith.index_cast %add3A_133 : i32 to index
      %get3A_135 = arith.constant 0 : index
      %get3A_136 = tpu.vector_load %arg6[%get3A_134, %get3A_135] {strides = array<i32>} : memref<640x16xf32, #tpu.memory_space<vmem>>, vector<1x16xf32>,
      %get3A_137 = vector.shape_cast %get3A_136 : vector<1x16xf32> to vector<1x16xf32>
      %add3A_138 = arith.addf %add3A_131, %get3A_137 : vector<1x16xf32>
      %add3A_139 = arith.constant 7 : i32
      %add3A_140 = arith.addi %mul3A_93, %add3A_139 : i32
      %get3A_141 = arith.index_cast %add3A_140 : i32 to index
      %get3A_142 = arith.constant 0 : index
      %get3A_143 = tpu.vector_load %arg6[%get3A_141, %get3A_142] {strides = array<i32>} : memref<640x16xf32, #tpu.memory_space<vmem>>, vector<1x16xf32>,
      %get3A_144 = vector.shape_cast %get3A_143 : vector<1x16xf32> to vector<1x16xf32>
      %add3A_145 = arith.addf %add3A_138, %get3A_144 : vector<1x16xf32>
      %add3A_146 = arith.constant 8 : i32
      %add3A_147 = arith.addi %mul3A_93, %add3A_146 : i32
      %get3A_148 = arith.index_cast %add3A_147 : i32 to index
      %get3A_149 = arith.constant 0 : index
      %get3A_150 = tpu.vector_load %arg6[%get3A_148, %get3A_149] {strides = array<i32>} : memref<640x16xf32, #tpu.memory_space<vmem>>, vector<1x16xf32>,
      %get3A_151 = vector.shape_cast %get3A_150 : vector<1x16xf32> to vector<1x16xf32>
      %add3A_152 = arith.addf %add3A_145, %get3A_151 : vector<1x16xf32>
      %add3A_153 = arith.constant 9 : i32
      %add3A_154 = arith.addi %mul3A_93, %add3A_153 : i32
      %get3A_155 = arith.index_cast %add3A_154 : i32 to index
      %get3A_156 = arith.constant 0 : index
      %get3A_157 = tpu.vector_load %arg6[%get3A_155, %get3A_156] {strides = array<i32>} : memref<640x16xf32, #tpu.memory_space<vmem>>, vector<1x16xf32>,
      %get3A_158 = vector.shape_cast %get3A_157 : vector<1x16xf32> to vector<1x16xf32>
      %add3A_159 = arith.addf %add3A_152, %get3A_158 : vector<1x16xf32>
      %add3A_160 = arith.constant 10 : i32
      %add3A_161 = arith.addi %mul3A_93, %add3A_160 : i32
      %get3A_162 = arith.index_cast %add3A_161 : i32 to index
      %get3A_163 = arith.constant 0 : index
      %get3A_164 = tpu.vector_load %arg6[%get3A_162, %get3A_163] {strides = array<i32>} : memref<640x16xf32, #tpu.memory_space<vmem>>, vector<1x16xf32>,
      %get3A_165 = vector.shape_cast %get3A_164 : vector<1x16xf32> to vector<1x16xf32>
      %add3A_166 = arith.addf %add3A_159, %get3A_165 : vector<1x16xf32>
      %add3A_167 = arith.constant 11 : i32
      %add3A_168 = arith.addi %mul3A_93, %add3A_167 : i32
      %get3A_169 = arith.index_cast %add3A_168 : i32 to index
      %get3A_170 = arith.constant 0 : index
      %get3A_171 = tpu.vector_load %arg6[%get3A_169, %get3A_170] {strides = array<i32>} : memref<640x16xf32, #tpu.memory_space<vmem>>, vector<1x16xf32>,
      %get3A_172 = vector.shape_cast %get3A_171 : vector<1x16xf32> to vector<1x16xf32>
      %add3A_173 = arith.addf %add3A_166, %get3A_172 : vector<1x16xf32>
      %add3A_174 = arith.constant 12 : i32
      %add3A_175 = arith.addi %mul3A_93, %add3A_174 : i32
      %get3A_176 = arith.index_cast %add3A_175 : i32 to index
      %get3A_177 = arith.constant 0 : index
      %get3A_178 = tpu.vector_load %arg6[%get3A_176, %get3A_177] {strides = array<i32>} : memref<640x16xf32, #tpu.memory_space<vmem>>, vector<1x16xf32>,
      %get3A_179 = vector.shape_cast %get3A_178 : vector<1x16xf32> to vector<1x16xf32>
      %add3A_180 = arith.addf %add3A_173, %get3A_179 : vector<1x16xf32>
      %add3A_181 = arith.constant 13 : i32
      %add3A_182 = arith.addi %mul3A_93, %add3A_181 : i32
      %get3A_183 = arith.index_cast %add3A_182 : i32 to index
      %get3A_184 = arith.constant 0 : index
      %get3A_185 = tpu.vector_load %arg6[%get3A_183, %get3A_184] {strides = array<i32>} : memref<640x16xf32, #tpu.memory_space<vmem>>, vector<1x16xf32>,
      %get3A_186 = vector.shape_cast %get3A_185 : vector<1x16xf32> to vector<1x16xf32>
      %add3A_187 = arith.addf %add3A_180, %get3A_186 : vector<1x16xf32>
      %add3A_188 = arith.constant 14 : i32
      %add3A_189 = arith.addi %mul3A_93, %add3A_188 : i32
      %get3A_190 = arith.index_cast %add3A_189 : i32 to index
      %get3A_191 = arith.constant 0 : index
      %get3A_192 = tpu.vector_load %arg6[%get3A_190, %get3A_191] {strides = array<i32>} : memref<640x16xf32, #tpu.memory_space<vmem>>, vector<1x16xf32>,
      %get3A_193 = vector.shape_cast %get3A_192 : vector<1x16xf32> to vector<1x16xf32>
      %add3A_194 = arith.addf %add3A_187, %get3A_193 : vector<1x16xf32>
      %add3A_195 = arith.constant 15 : i32
      %add3A_196 = arith.addi %mul3A_93, %add3A_195 : i32
      %get3A_197 = arith.index_cast %add3A_196 : i32 to index
      %get3A_198 = arith.constant 0 : index
      %get3A_199 = tpu.vector_load %arg6[%get3A_197, %get3A_198] {strides = array<i32>} : memref<640x16xf32, #tpu.memory_space<vmem>>, vector<1x16xf32>,
      %get3A_200 = vector.shape_cast %get3A_199 : vector<1x16xf32> to vector<1x16xf32>
      %add3A_201 = arith.addf %add3A_194, %get3A_200 : vector<1x16xf32>
      %add3A_202 = arith.constant 16 : i32
      %add3A_203 = arith.addi %mul3A_93, %add3A_202 : i32
      %get3A_204 = arith.index_cast %add3A_203 : i32 to index
      %get3A_205 = arith.constant 0 : index
      %get3A_206 = tpu.vector_load %arg6[%get3A_204, %get3A_205] {strides = array<i32>} : memref<640x16xf32, #tpu.memory_space<vmem>>, vector<1x16xf32>,
      %get3A_207 = vector.shape_cast %get3A_206 : vector<1x16xf32> to vector<1x16xf32>
      %add3A_208 = arith.addf %add3A_201, %get3A_207 : vector<1x16xf32>
      %add3A_209 = arith.constant 17 : i32
      %add3A_210 = arith.addi %mul3A_93, %add3A_209 : i32
      %get3A_211 = arith.index_cast %add3A_210 : i32 to index
      %get3A_212 = arith.constant 0 : index
      %get3A_213 = tpu.vector_load %arg6[%get3A_211, %get3A_212] {strides = array<i32>} : memref<640x16xf32, #tpu.memory_space<vmem>>, vector<1x16xf32>,
      %get3A_214 = vector.shape_cast %get3A_213 : vector<1x16xf32> to vector<1x16xf32>
      %add3A_215 = arith.addf %add3A_208, %get3A_214 : vector<1x16xf32>
      %add3A_216 = arith.constant 18 : i32
      %add3A_217 = arith.addi %mul3A_93, %add3A_216 : i32
      %get3A_218 = arith.index_cast %add3A_217 : i32 to index
      %get3A_219 = arith.constant 0 : index
      %get3A_220 = tpu.vector_load %arg6[%get3A_218, %get3A_219] {strides = array<i32>} : memref<640x16xf32, #tpu.memory_space<vmem>>, vector<1x16xf32>,
      %get3A_221 = vector.shape_cast %get3A_220 : vector<1x16xf32> to vector<1x16xf32>
      %add3A_222 = arith.addf %add3A_215, %get3A_221 : vector<1x16xf32>
      %add3A_223 = arith.constant 19 : i32
      %add3A_224 = arith.addi %mul3A_93, %add3A_223 : i32
      %get3A_225 = arith.index_cast %add3A_224 : i32 to index
      %get3A_226 = arith.constant 0 : index
      %get3A_227 = tpu.vector_load %arg6[%get3A_225, %get3A_226] {strides = array<i32>} : memref<640x16xf32, #tpu.memory_space<vmem>>, vector<1x16xf32>,
      %get3A_228 = vector.shape_cast %get3A_227 : vector<1x16xf32> to vector<1x16xf32>
      %add3A_229 = arith.addf %add3A_222, %get3A_228 : vector<1x16xf32>
      %mul3A_230 = arith.constant 5.000000e-02 : f32
      %mul3A_231 = vector.broadcast %mul3A_230 : f32 to vector<1x16xf32>
      %mul3A_232 = arith.mulf %add3A_229, %mul3A_231 : vector<1x16xf32>
      %swap3A = arith.index_cast %add3A_91 : i32 to index
      %swap3A_233 = arith.constant 0 : index
      %swap3A_234 = tpu.vector_load %arg7[%swap3A, %swap3A_233] {strides = array<i32>} : memref<32x16xf32, #tpu.memory_space<vmem>>, vector<1x16xf32>,
      %swap3A_235 = vector.shape_cast %swap3A_234 : vector<1x16xf32> to vector<1x16xf32>
      %swap3A_236 = vector.shape_cast %mul3A_232 : vector<1x16xf32> to vector<1x16xf32>
      tpu.vector_store %arg7[%swap3A, %swap3A_233], %swap3A_236 {strides = array<i32>} : memref<32x16xf32, #tpu.memory_space<vmem>>, vector<1x16xf32>,
    }
    %scan3A_84 = arith.constant 32 : i32
    %mul3A_85 = arith.constant 32 : i32
    %mul3A_86 = arith.muli %add3A, %mul3A_85 : i32
    "tpu.region"() ({
      %run_scoped3A = tpu.sem_alloc : memref<!tpu.dma_semaphore, #tpu.memory_space<semaphore_mem>>
      %dma_start3A_87 = arith.constant 0 : i32
      %dma_start3A_88 = tpu.memref_slice %arg4[%mul3A_86, %dma_start3A_87] : memref<1024x16xf32, #tpu.memory_space<hbm>> -> memref<32x16xf32, #tpu.memory_space<hbm>>
      %dma_start3A_89 = arith.constant 0 : i32
      %dma_start3A_90 = tpu.memref_slice %arg4[%mul3A_86, %dma_start3A_89] : memref<1024x16xf32, #tpu.memory_space<hbm>> -> memref<32x16xf32, #tpu.memory_space<hbm>>
      tpu.enqueue_dma source(%arg7 : memref<32x16xf32, #tpu.memory_space<vmem>>) target(%dma_start3A_90 : memref<32x16xf32, #tpu.memory_space<hbm>>) target_semaphore(%run_scoped3A : memref<!tpu.dma_semaphore, #tpu.memory_space<semaphore_mem>>)
      %dma_wait3A_91 = arith.constant 0 : i32
      %dma_wait3A_92 = tpu.memref_slice %arg4[%mul3A_86, %dma_wait3A_91] : memref<1024x16xf32, #tpu.memory_space<hbm>> -> memref<32x16xf32, #tpu.memory_space<hbm>>
      %dma_wait3A_93 = arith.constant 0 : i32
      %dma_wait3A_94 = tpu.memref_slice %arg4[%mul3A_86, %dma_wait3A_93] : memref<1024x16xf32, #tpu.memory_space<hbm>> -> memref<32x16xf32, #tpu.memory_space<hbm>>
      tpu.wait_dma2 semaphore(%run_scoped3A : memref<!tpu.dma_semaphore, #tpu.memory_space<semaphore_mem>>) src(%arg7 : memref<32x16xf32, #tpu.memory_space<vmem>>) dst(%dma_wait3A_94 : memref<32x16xf32, #tpu.memory_space<hbm>>)
      tpu.yield
    }) : () -> ()
    return
  }
}

module attributes {stable_mosaic.version = 14 : i64} {
  func.func @_mm_body(%arg0: memref<1024x16xf32, #tpu.memory_space<vmem>>, %arg1: memref<16x100000xbf16, #tpu.memory_space<vmem>>, %arg2: memref<1x100000xf32, #tpu.memory_space<vmem>>, %arg3: memref<100000x1024xf32, #tpu.memory_space<hbm>>, %arg4: memref<1024x1024xf32, #tpu.memory_space<vmem>>, %arg5: memref<1024x1024xf32, #tpu.memory_space<vmem>>, %arg6: memref<1024x1024xf32, #tpu.memory_space<vmem>>, %arg7: memref<1024x1024xf32, #tpu.memory_space<vmem>>, %arg8: memref<1024x1024xf32, #tpu.memory_space<vmem>>, %arg9: memref<1024x1024xf32, #tpu.memory_space<vmem>>, %arg10: memref<1024x1024xf32, #tpu.memory_space<vmem>>, %arg11: memref<1024x1024xf32, #tpu.memory_space<vmem>>, %arg12: memref<672x1024xf32, #tpu.memory_space<vmem>>, %arg13: memref<!tpu.dma_semaphore, #tpu.memory_space<semaphore_mem>>, %arg14: memref<!tpu.dma_semaphore, #tpu.memory_space<semaphore_mem>>, %arg15: memref<!tpu.dma_semaphore, #tpu.memory_space<semaphore_mem>>, %arg16: memref<!tpu.dma_semaphore, #tpu.memory_space<semaphore_mem>>, %arg17: memref<!tpu.dma_semaphore, #tpu.memory_space<semaphore_mem>>, %arg18: memref<!tpu.dma_semaphore, #tpu.memory_space<semaphore_mem>>, %arg19: memref<!tpu.dma_semaphore, #tpu.memory_space<semaphore_mem>>, %arg20: memref<!tpu.dma_semaphore, #tpu.memory_space<semaphore_mem>>, %arg21: memref<!tpu.dma_semaphore, #tpu.memory_space<semaphore_mem>>, %arg22: memref<!tpu.dma_semaphore, #tpu.memory_space<semaphore_mem>>, %arg23: memref<!tpu.dma_semaphore, #tpu.memory_space<semaphore_mem>>, %arg24: memref<!tpu.dma_semaphore, #tpu.memory_space<semaphore_mem>>, %arg25: memref<!tpu.dma_semaphore, #tpu.memory_space<semaphore_mem>>, %arg26: memref<!tpu.dma_semaphore, #tpu.memory_space<semaphore_mem>>, %arg27: memref<!tpu.dma_semaphore, #tpu.memory_space<semaphore_mem>>, %arg28: memref<!tpu.dma_semaphore, #tpu.memory_space<semaphore_mem>>, %arg29: memref<!tpu.dma_semaphore, #tpu.memory_space<semaphore_mem>>, %arg30: memref<!tpu.dma_semaphore, #tpu.memory_space<semaphore_mem>>, %arg31: memref<!tpu.dma_semaphore, #tpu.memory_space<semaphore_mem>>, %arg32: memref<!tpu.dma_semaphore, #tpu.memory_space<semaphore_mem>>, %arg33: memref<!tpu.dma_semaphore, #tpu.memory_space<semaphore_mem>>, %arg34: memref<!tpu.dma_semaphore, #tpu.memory_space<semaphore_mem>>, %arg35: memref<!tpu.dma_semaphore, #tpu.memory_space<semaphore_mem>>, %arg36: memref<!tpu.dma_semaphore, #tpu.memory_space<semaphore_mem>>, %arg37: memref<!tpu.dma_semaphore, #tpu.memory_space<semaphore_mem>>, %arg38: memref<!tpu.dma_semaphore, #tpu.memory_space<semaphore_mem>>, %arg39: memref<!tpu.dma_semaphore, #tpu.memory_space<semaphore_mem>>, %arg40: memref<!tpu.dma_semaphore, #tpu.memory_space<semaphore_mem>>, %arg41: memref<!tpu.dma_semaphore, #tpu.memory_space<semaphore_mem>>, %arg42: memref<!tpu.dma_semaphore, #tpu.memory_space<semaphore_mem>>, %arg43: memref<!tpu.dma_semaphore, #tpu.memory_space<semaphore_mem>>, %arg44: memref<!tpu.dma_semaphore, #tpu.memory_space<semaphore_mem>>, %arg45: memref<!tpu.dma_semaphore, #tpu.memory_space<semaphore_mem>>) attributes {dimension_semantics = [], scalar_prefetch = 0 : i64, scratch_operands = 42 : i64, tpu.core_type = #tpu.core_type<tc>} {
    %get3A = arith.constant 0 : index
    %get3A_0 = arith.constant 0 : index
    %get3A_1 = vector.load %arg0[%get3A, %get3A_0] : memref<1024x16xf32, #tpu.memory_space<vmem>>, vector<1024x16xf32>
    %transpose3A = tpu.transpose %get3A_1, [1, 0] : vector<1024x16xf32> -> vector<16x1024xf32>
    %convert_element_type3A = arith.truncf %transpose3A : vector<16x1024xf32> to vector<16x1024xbf16>
    %scan3A = arith.constant 0 : i32
    %scan3A_2 = arith.constant 12 : i32
    %scan3A_3 = arith.addi %scan3A, %scan3A_2 : i32
    %scan3A_4 = arith.constant 1 : i32
    scf.for %scan3A_155 = %scan3A to %scan3A_3 step %scan3A_4  : i32 {
      %mul3A = arith.constant 1 : i32
      %mul3A_156 = arith.muli %scan3A_155, %mul3A : i32
      %add3A_157 = arith.constant 0 : i32
      %add3A_158 = arith.addi %add3A_157, %mul3A_156 : i32
      %mul3A_159 = arith.constant 8 : i32
      %mul3A_160 = arith.muli %add3A_158, %mul3A_159 : i32
      %add3A_161 = arith.constant 0 : i32
      %add3A_162 = arith.addi %mul3A_160, %add3A_161 : i32
      %mul3A_163 = arith.constant 1024 : i32
      %mul3A_164 = arith.muli %add3A_162, %mul3A_163 : i32
      %multiple_of3A = tpu.assume_multiple %mul3A_164, 1024 : i32
      %gt3A = arith.constant 0 : i32
      %gt3A_165 = arith.cmpi sgt, %add3A_158, %gt3A : i32
      %convert_element_type3A_166 = arith.extui %gt3A_165 : i1 to i32
      %cond3A = arith.constant 0 : i32
      %cond3A_167 = arith.cmpi ne, %convert_element_type3A_166, %cond3A : i32
      scf.if %cond3A_167 {
        %add3A_476 = arith.constant 0 : i32
        %add3A_477 = arith.addi %multiple_of3A, %add3A_476 : i32
        %dma_wait3A_478 = arith.constant 0 : i32
        %dma_wait3A_479 = tpu.memref_slice %arg3[%add3A_477, %dma_wait3A_478] : memref<100000x1024xf32, #tpu.memory_space<hbm>> -> memref<512x1024xf32, #tpu.memory_space<hbm>>
        %dma_wait3A_480 = arith.constant 0 : i32
        %dma_wait3A_481 = arith.constant 0 : i32
        %dma_wait3A_482 = tpu.memref_slice %arg4[%dma_wait3A_480, %dma_wait3A_481] : memref<1024x1024xf32, #tpu.memory_space<vmem>> -> memref<512x1024xf32, #tpu.memory_space<vmem>>
        tpu.wait_dma2 semaphore(%arg13 : memref<!tpu.dma_semaphore, #tpu.memory_space<semaphore_mem>>) src(%dma_wait3A_482 : memref<512x1024xf32, #tpu.memory_space<vmem>>) dst(%dma_wait3A_479 : memref<512x1024xf32, #tpu.memory_space<hbm>>)
        %add3A_483 = arith.constant 512 : i32
        %add3A_484 = arith.addi %multiple_of3A, %add3A_483 : i32
        %dma_wait3A_485 = arith.constant 0 : i32
        %dma_wait3A_486 = tpu.memref_slice %arg3[%add3A_484, %dma_wait3A_485] : memref<100000x1024xf32, #tpu.memory_space<hbm>> -> memref<512x1024xf32, #tpu.memory_space<hbm>>
        %dma_wait3A_487 = arith.constant 512 : i32
        %dma_wait3A_488 = arith.constant 0 : i32
        %dma_wait3A_489 = tpu.memref_slice %arg4[%dma_wait3A_487, %dma_wait3A_488] : memref<1024x1024xf32, #tpu.memory_space<vmem>> -> memref<512x1024xf32, #tpu.memory_space<vmem>>
        tpu.wait_dma2 semaphore(%arg14 : memref<!tpu.dma_semaphore, #tpu.memory_space<semaphore_mem>>) src(%dma_wait3A_489 : memref<512x1024xf32, #tpu.memory_space<vmem>>) dst(%dma_wait3A_486 : memref<512x1024xf32, #tpu.memory_space<hbm>>)
      } else {
      }
      %get3A_168 = arith.constant 0 : index
      %get3A_169 = arith.index_cast %multiple_of3A : i32 to index
      %get3A_170 = vector.load %arg1[%get3A_168, %get3A_169] : memref<16x100000xbf16, #tpu.memory_space<vmem>>, vector<16x1024xbf16>
      %dot_general3A_171 = arith.constant dense<0.000000e+00> : vector<1024x1024xf32>
      %dot_general3A_172 = tpu.matmul %get3A_170, %convert_element_type3A, %dot_general3A_171 {dimension_numbers = #tpu.dot_dimension_numbers<[0], [0], [1], [1], [0, 1, 1, 1], [], []>, transpose_lhs_hint = false} : vector<16x1024xbf16>, vector<16x1024xbf16>, vector<1024x1024xf32> -> vector<1024x1024xf32>
      %get3A_173 = arith.constant 0 : index
      %get3A_174 = arith.index_cast %multiple_of3A : i32 to index
      %get3A_175 = vector.load %arg2[%get3A_173, %get3A_174] : memref<1x100000xf32, #tpu.memory_space<vmem>>, vector<1x1024xf32>
      %transpose3A_176 = tpu.transpose %get3A_175, [1, 0] : vector<1x1024xf32> -> vector<1024x1xf32>
      %add3A_177 = vector.broadcast %transpose3A_176 : vector<1024x1xf32> to vector<1024x1024xf32>
      %add3A_178 = arith.addf %dot_general3A_172, %add3A_177 : vector<1024x1024xf32>
      %swap3A_179 = arith.constant 0 : index
      %swap3A_180 = arith.constant 0 : index
      %swap3A_181 = vector.load %arg4[%swap3A_179, %swap3A_180] : memref<1024x1024xf32, #tpu.memory_space<vmem>>, vector<1024x1024xf32>
      tpu.vector_store %arg4[%swap3A_179, %swap3A_180], %add3A_178 {strides = array<i32>} : memref<1024x1024xf32, #tpu.memory_space<vmem>>, vector<1024x1024xf32>,
      %add3A_182 = arith.constant 0 : i32
      %add3A_183 = arith.addi %multiple_of3A, %add3A_182 : i32
      %dma_start3A_184 = arith.constant 0 : i32
      %dma_start3A_185 = tpu.memref_slice %arg3[%add3A_183, %dma_start3A_184] : memref<100000x1024xf32, #tpu.memory_space<hbm>> -> memref<512x1024xf32, #tpu.memory_space<hbm>>
      %dma_start3A_186 = arith.constant 0 : i32
      %dma_start3A_187 = arith.constant 0 : i32
      %dma_start3A_188 = tpu.memref_slice %arg4[%dma_start3A_186, %dma_start3A_187] : memref<1024x1024xf32, #tpu.memory_space<vmem>> -> memref<512x1024xf32, #tpu.memory_space<vmem>>
      tpu.enqueue_dma source(%dma_start3A_188 : memref<512x1024xf32, #tpu.memory_space<vmem>>) target(%dma_start3A_185 : memref<512x1024xf32, #tpu.memory_space<hbm>>) target_semaphore(%arg13 : memref<!tpu.dma_semaphore, #tpu.memory_space<semaphore_mem>>)
      %add3A_189 = arith.constant 512 : i32
      %add3A_190 = arith.addi %multiple_of3A, %add3A_189 : i32
      %dma_start3A_191 = arith.constant 0 : i32
      %dma_start3A_192 = tpu.memref_slice %arg3[%add3A_190, %dma_start3A_191] : memref<100000x1024xf32, #tpu.memory_space<hbm>> -> memref<512x1024xf32, #tpu.memory_space<hbm>>
      %dma_start3A_193 = arith.constant 512 : i32
      %dma_start3A_194 = arith.constant 0 : i32
      %dma_start3A_195 = tpu.memref_slice %arg4[%dma_start3A_193, %dma_start3A_194] : memref<1024x1024xf32, #tpu.memory_space<vmem>> -> memref<512x1024xf32, #tpu.memory_space<vmem>>
      tpu.enqueue_dma source(%dma_start3A_195 : memref<512x1024xf32, #tpu.memory_space<vmem>>) target(%dma_start3A_192 : memref<512x1024xf32, #tpu.memory_space<hbm>>) target_semaphore(%arg14 : memref<!tpu.dma_semaphore, #tpu.memory_space<semaphore_mem>>)
      %mul3A_196 = arith.constant 8 : i32
      %mul3A_197 = arith.muli %add3A_158, %mul3A_196 : i32
      %add3A_198 = arith.constant 1 : i32
      %add3A_199 = arith.addi %mul3A_197, %add3A_198 : i32
      %mul3A_200 = arith.constant 1024 : i32
      %mul3A_201 = arith.muli %add3A_199, %mul3A_200 : i32
      %multiple_of3A_202 = tpu.assume_multiple %mul3A_201, 1024 : i32
      %gt3A_203 = arith.constant 0 : i32
      %gt3A_204 = arith.cmpi sgt, %add3A_158, %gt3A_203 : i32
      %convert_element_type3A_205 = arith.extui %gt3A_204 : i1 to i32
      %cond3A_206 = arith.constant 0 : i32
      %cond3A_207 = arith.cmpi ne, %convert_element_type3A_205, %cond3A_206 : i32
      scf.if %cond3A_207 {
        %add3A_476 = arith.constant 0 : i32
        %add3A_477 = arith.addi %multiple_of3A_202, %add3A_476 : i32
        %dma_wait3A_478 = arith.constant 0 : i32
        %dma_wait3A_479 = tpu.memref_slice %arg3[%add3A_477, %dma_wait3A_478] : memref<100000x1024xf32, #tpu.memory_space<hbm>> -> memref<512x1024xf32, #tpu.memory_space<hbm>>
        %dma_wait3A_480 = arith.constant 0 : i32
        %dma_wait3A_481 = arith.constant 0 : i32
        %dma_wait3A_482 = tpu.memref_slice %arg5[%dma_wait3A_480, %dma_wait3A_481] : memref<1024x1024xf32, #tpu.memory_space<vmem>> -> memref<512x1024xf32, #tpu.memory_space<vmem>>
        tpu.wait_dma2 semaphore(%arg17 : memref<!tpu.dma_semaphore, #tpu.memory_space<semaphore_mem>>) src(%dma_wait3A_482 : memref<512x1024xf32, #tpu.memory_space<vmem>>) dst(%dma_wait3A_479 : memref<512x1024xf32, #tpu.memory_space<hbm>>)
        %add3A_483 = arith.constant 512 : i32
        %add3A_484 = arith.addi %multiple_of3A_202, %add3A_483 : i32
        %dma_wait3A_485 = arith.constant 0 : i32
        %dma_wait3A_486 = tpu.memref_slice %arg3[%add3A_484, %dma_wait3A_485] : memref<100000x1024xf32, #tpu.memory_space<hbm>> -> memref<512x1024xf32, #tpu.memory_space<hbm>>
        %dma_wait3A_487 = arith.constant 512 : i32
        %dma_wait3A_488 = arith.constant 0 : i32
        %dma_wait3A_489 = tpu.memref_slice %arg5[%dma_wait3A_487, %dma_wait3A_488] : memref<1024x1024xf32, #tpu.memory_space<vmem>> -> memref<512x1024xf32, #tpu.memory_space<vmem>>
        tpu.wait_dma2 semaphore(%arg18 : memref<!tpu.dma_semaphore, #tpu.memory_space<semaphore_mem>>) src(%dma_wait3A_489 : memref<512x1024xf32, #tpu.memory_space<vmem>>) dst(%dma_wait3A_486 : memref<512x1024xf32, #tpu.memory_space<hbm>>)
      } else {
      }
      %get3A_208 = arith.constant 0 : index
      %get3A_209 = arith.index_cast %multiple_of3A_202 : i32 to index
      %get3A_210 = vector.load %arg1[%get3A_208, %get3A_209] : memref<16x100000xbf16, #tpu.memory_space<vmem>>, vector<16x1024xbf16>
      %dot_general3A_211 = arith.constant dense<0.000000e+00> : vector<1024x1024xf32>
      %dot_general3A_212 = tpu.matmul %get3A_210, %convert_element_type3A, %dot_general3A_211 {dimension_numbers = #tpu.dot_dimension_numbers<[0], [0], [1], [1], [0, 1, 1, 1], [], []>, transpose_lhs_hint = false} : vector<16x1024xbf16>, vector<16x1024xbf16>, vector<1024x1024xf32> -> vector<1024x1024xf32>
      %get3A_213 = arith.constant 0 : index
      %get3A_214 = arith.index_cast %multiple_of3A_202 : i32 to index
      %get3A_215 = vector.load %arg2[%get3A_213, %get3A_214] : memref<1x100000xf32, #tpu.memory_space<vmem>>, vector<1x1024xf32>
      %transpose3A_216 = tpu.transpose %get3A_215, [1, 0] : vector<1x1024xf32> -> vector<1024x1xf32>
      %add3A_217 = vector.broadcast %transpose3A_216 : vector<1024x1xf32> to vector<1024x1024xf32>
      %add3A_218 = arith.addf %dot_general3A_212, %add3A_217 : vector<1024x1024xf32>
      %swap3A_219 = arith.constant 0 : index
      %swap3A_220 = arith.constant 0 : index
      %swap3A_221 = vector.load %arg5[%swap3A_219, %swap3A_220] : memref<1024x1024xf32, #tpu.memory_space<vmem>>, vector<1024x1024xf32>
      tpu.vector_store %arg5[%swap3A_219, %swap3A_220], %add3A_218 {strides = array<i32>} : memref<1024x1024xf32, #tpu.memory_space<vmem>>, vector<1024x1024xf32>,
      %add3A_222 = arith.constant 0 : i32
      %add3A_223 = arith.addi %multiple_of3A_202, %add3A_222 : i32
      %dma_start3A_224 = arith.constant 0 : i32
      %dma_start3A_225 = tpu.memref_slice %arg3[%add3A_223, %dma_start3A_224] : memref<100000x1024xf32, #tpu.memory_space<hbm>> -> memref<512x1024xf32, #tpu.memory_space<hbm>>
      %dma_start3A_226 = arith.constant 0 : i32
      %dma_start3A_227 = arith.constant 0 : i32
      %dma_start3A_228 = tpu.memref_slice %arg5[%dma_start3A_226, %dma_start3A_227] : memref<1024x1024xf32, #tpu.memory_space<vmem>> -> memref<512x1024xf32, #tpu.memory_space<vmem>>
      tpu.enqueue_dma source(%dma_start3A_228 : memref<512x1024xf32, #tpu.memory_space<vmem>>) target(%dma_start3A_225 : memref<512x1024xf32, #tpu.memory_space<hbm>>) target_semaphore(%arg17 : memref<!tpu.dma_semaphore, #tpu.memory_space<semaphore_mem>>)
      %add3A_229 = arith.constant 512 : i32
      %add3A_230 = arith.addi %multiple_of3A_202, %add3A_229 : i32
      %dma_start3A_231 = arith.constant 0 : i32
      %dma_start3A_232 = tpu.memref_slice %arg3[%add3A_230, %dma_start3A_231] : memref<100000x1024xf32, #tpu.memory_space<hbm>> -> memref<512x1024xf32, #tpu.memory_space<hbm>>
      %dma_start3A_233 = arith.constant 512 : i32
      %dma_start3A_234 = arith.constant 0 : i32
      %dma_start3A_235 = tpu.memref_slice %arg5[%dma_start3A_233, %dma_start3A_234] : memref<1024x1024xf32, #tpu.memory_space<vmem>> -> memref<512x1024xf32, #tpu.memory_space<vmem>>
      tpu.enqueue_dma source(%dma_start3A_235 : memref<512x1024xf32, #tpu.memory_space<vmem>>) target(%dma_start3A_232 : memref<512x1024xf32, #tpu.memory_space<hbm>>) target_semaphore(%arg18 : memref<!tpu.dma_semaphore, #tpu.memory_space<semaphore_mem>>)
      %mul3A_236 = arith.constant 8 : i32
      %mul3A_237 = arith.muli %add3A_158, %mul3A_236 : i32
      %add3A_238 = arith.constant 2 : i32
      %add3A_239 = arith.addi %mul3A_237, %add3A_238 : i32
      %mul3A_240 = arith.constant 1024 : i32
      %mul3A_241 = arith.muli %add3A_239, %mul3A_240 : i32
      %multiple_of3A_242 = tpu.assume_multiple %mul3A_241, 1024 : i32
      %gt3A_243 = arith.constant 0 : i32
      %gt3A_244 = arith.cmpi sgt, %add3A_158, %gt3A_243 : i32
      %convert_element_type3A_245 = arith.extui %gt3A_244 : i1 to i32
      %cond3A_246 = arith.constant 0 : i32
      %cond3A_247 = arith.cmpi ne, %convert_element_type3A_245, %cond3A_246 : i32
      scf.if %cond3A_247 {
        %add3A_476 = arith.constant 0 : i32
        %add3A_477 = arith.addi %multiple_of3A_242, %add3A_476 : i32
        %dma_wait3A_478 = arith.constant 0 : i32
        %dma_wait3A_479 = tpu.memref_slice %arg3[%add3A_477, %dma_wait3A_478] : memref<100000x1024xf32, #tpu.memory_space<hbm>> -> memref<512x1024xf32, #tpu.memory_space<hbm>>
        %dma_wait3A_480 = arith.constant 0 : i32
        %dma_wait3A_481 = arith.constant 0 : i32
        %dma_wait3A_482 = tpu.memref_slice %arg6[%dma_wait3A_480, %dma_wait3A_481] : memref<1024x1024xf32, #tpu.memory_space<vmem>> -> memref<512x1024xf32, #tpu.memory_space<vmem>>
        tpu.wait_dma2 semaphore(%arg21 : memref<!tpu.dma_semaphore, #tpu.memory_space<semaphore_mem>>) src(%dma_wait3A_482 : memref<512x1024xf32, #tpu.memory_space<vmem>>) dst(%dma_wait3A_479 : memref<512x1024xf32, #tpu.memory_space<hbm>>)
        %add3A_483 = arith.constant 512 : i32
        %add3A_484 = arith.addi %multiple_of3A_242, %add3A_483 : i32
        %dma_wait3A_485 = arith.constant 0 : i32
        %dma_wait3A_486 = tpu.memref_slice %arg3[%add3A_484, %dma_wait3A_485] : memref<100000x1024xf32, #tpu.memory_space<hbm>> -> memref<512x1024xf32, #tpu.memory_space<hbm>>
        %dma_wait3A_487 = arith.constant 512 : i32
        %dma_wait3A_488 = arith.constant 0 : i32
        %dma_wait3A_489 = tpu.memref_slice %arg6[%dma_wait3A_487, %dma_wait3A_488] : memref<1024x1024xf32, #tpu.memory_space<vmem>> -> memref<512x1024xf32, #tpu.memory_space<vmem>>
        tpu.wait_dma2 semaphore(%arg22 : memref<!tpu.dma_semaphore, #tpu.memory_space<semaphore_mem>>) src(%dma_wait3A_489 : memref<512x1024xf32, #tpu.memory_space<vmem>>) dst(%dma_wait3A_486 : memref<512x1024xf32, #tpu.memory_space<hbm>>)
      } else {
      }
      %get3A_248 = arith.constant 0 : index
      %get3A_249 = arith.index_cast %multiple_of3A_242 : i32 to index
      %get3A_250 = vector.load %arg1[%get3A_248, %get3A_249] : memref<16x100000xbf16, #tpu.memory_space<vmem>>, vector<16x1024xbf16>
      %dot_general3A_251 = arith.constant dense<0.000000e+00> : vector<1024x1024xf32>
      %dot_general3A_252 = tpu.matmul %get3A_250, %convert_element_type3A, %dot_general3A_251 {dimension_numbers = #tpu.dot_dimension_numbers<[0], [0], [1], [1], [0, 1, 1, 1], [], []>, transpose_lhs_hint = false} : vector<16x1024xbf16>, vector<16x1024xbf16>, vector<1024x1024xf32> -> vector<1024x1024xf32>
      %get3A_253 = arith.constant 0 : index
      %get3A_254 = arith.index_cast %multiple_of3A_242 : i32 to index
      %get3A_255 = vector.load %arg2[%get3A_253, %get3A_254] : memref<1x100000xf32, #tpu.memory_space<vmem>>, vector<1x1024xf32>
      %transpose3A_256 = tpu.transpose %get3A_255, [1, 0] : vector<1x1024xf32> -> vector<1024x1xf32>
      %add3A_257 = vector.broadcast %transpose3A_256 : vector<1024x1xf32> to vector<1024x1024xf32>
      %add3A_258 = arith.addf %dot_general3A_252, %add3A_257 : vector<1024x1024xf32>
      %swap3A_259 = arith.constant 0 : index
      %swap3A_260 = arith.constant 0 : index
      %swap3A_261 = vector.load %arg6[%swap3A_259, %swap3A_260] : memref<1024x1024xf32, #tpu.memory_space<vmem>>, vector<1024x1024xf32>
      tpu.vector_store %arg6[%swap3A_259, %swap3A_260], %add3A_258 {strides = array<i32>} : memref<1024x1024xf32, #tpu.memory_space<vmem>>, vector<1024x1024xf32>,
      %add3A_262 = arith.constant 0 : i32
      %add3A_263 = arith.addi %multiple_of3A_242, %add3A_262 : i32
      %dma_start3A_264 = arith.constant 0 : i32
      %dma_start3A_265 = tpu.memref_slice %arg3[%add3A_263, %dma_start3A_264] : memref<100000x1024xf32, #tpu.memory_space<hbm>> -> memref<512x1024xf32, #tpu.memory_space<hbm>>
      %dma_start3A_266 = arith.constant 0 : i32
      %dma_start3A_267 = arith.constant 0 : i32
      %dma_start3A_268 = tpu.memref_slice %arg6[%dma_start3A_266, %dma_start3A_267] : memref<1024x1024xf32, #tpu.memory_space<vmem>> -> memref<512x1024xf32, #tpu.memory_space<vmem>>
      tpu.enqueue_dma source(%dma_start3A_268 : memref<512x1024xf32, #tpu.memory_space<vmem>>) target(%dma_start3A_265 : memref<512x1024xf32, #tpu.memory_space<hbm>>) target_semaphore(%arg21 : memref<!tpu.dma_semaphore, #tpu.memory_space<semaphore_mem>>)
      %add3A_269 = arith.constant 512 : i32
      %add3A_270 = arith.addi %multiple_of3A_242, %add3A_269 : i32
      %dma_start3A_271 = arith.constant 0 : i32
      %dma_start3A_272 = tpu.memref_slice %arg3[%add3A_270, %dma_start3A_271] : memref<100000x1024xf32, #tpu.memory_space<hbm>> -> memref<512x1024xf32, #tpu.memory_space<hbm>>
      %dma_start3A_273 = arith.constant 512 : i32
      %dma_start3A_274 = arith.constant 0 : i32
      %dma_start3A_275 = tpu.memref_slice %arg6[%dma_start3A_273, %dma_start3A_274] : memref<1024x1024xf32, #tpu.memory_space<vmem>> -> memref<512x1024xf32, #tpu.memory_space<vmem>>
      tpu.enqueue_dma source(%dma_start3A_275 : memref<512x1024xf32, #tpu.memory_space<vmem>>) target(%dma_start3A_272 : memref<512x1024xf32, #tpu.memory_space<hbm>>) target_semaphore(%arg22 : memref<!tpu.dma_semaphore, #tpu.memory_space<semaphore_mem>>)
      %mul3A_276 = arith.constant 8 : i32
      %mul3A_277 = arith.muli %add3A_158, %mul3A_276 : i32
      %add3A_278 = arith.constant 3 : i32
      %add3A_279 = arith.addi %mul3A_277, %add3A_278 : i32
      %mul3A_280 = arith.constant 1024 : i32
      %mul3A_281 = arith.muli %add3A_279, %mul3A_280 : i32
      %multiple_of3A_282 = tpu.assume_multiple %mul3A_281, 1024 : i32
      %gt3A_283 = arith.constant 0 : i32
      %gt3A_284 = arith.cmpi sgt, %add3A_158, %gt3A_283 : i32
      %convert_element_type3A_285 = arith.extui %gt3A_284 : i1 to i32
      %cond3A_286 = arith.constant 0 : i32
      %cond3A_287 = arith.cmpi ne, %convert_element_type3A_285, %cond3A_286 : i32
      scf.if %cond3A_287 {
        %add3A_476 = arith.constant 0 : i32
        %add3A_477 = arith.addi %multiple_of3A_282, %add3A_476 : i32
        %dma_wait3A_478 = arith.constant 0 : i32
        %dma_wait3A_479 = tpu.memref_slice %arg3[%add3A_477, %dma_wait3A_478] : memref<100000x1024xf32, #tpu.memory_space<hbm>> -> memref<512x1024xf32, #tpu.memory_space<hbm>>
        %dma_wait3A_480 = arith.constant 0 : i32
        %dma_wait3A_481 = arith.constant 0 : i32
        %dma_wait3A_482 = tpu.memref_slice %arg7[%dma_wait3A_480, %dma_wait3A_481] : memref<1024x1024xf32, #tpu.memory_space<vmem>> -> memref<512x1024xf32, #tpu.memory_space<vmem>>
        tpu.wait_dma2 semaphore(%arg25 : memref<!tpu.dma_semaphore, #tpu.memory_space<semaphore_mem>>) src(%dma_wait3A_482 : memref<512x1024xf32, #tpu.memory_space<vmem>>) dst(%dma_wait3A_479 : memref<512x1024xf32, #tpu.memory_space<hbm>>)
        %add3A_483 = arith.constant 512 : i32
        %add3A_484 = arith.addi %multiple_of3A_282, %add3A_483 : i32
        %dma_wait3A_485 = arith.constant 0 : i32
        %dma_wait3A_486 = tpu.memref_slice %arg3[%add3A_484, %dma_wait3A_485] : memref<100000x1024xf32, #tpu.memory_space<hbm>> -> memref<512x1024xf32, #tpu.memory_space<hbm>>
        %dma_wait3A_487 = arith.constant 512 : i32
        %dma_wait3A_488 = arith.constant 0 : i32
        %dma_wait3A_489 = tpu.memref_slice %arg7[%dma_wait3A_487, %dma_wait3A_488] : memref<1024x1024xf32, #tpu.memory_space<vmem>> -> memref<512x1024xf32, #tpu.memory_space<vmem>>
        tpu.wait_dma2 semaphore(%arg26 : memref<!tpu.dma_semaphore, #tpu.memory_space<semaphore_mem>>) src(%dma_wait3A_489 : memref<512x1024xf32, #tpu.memory_space<vmem>>) dst(%dma_wait3A_486 : memref<512x1024xf32, #tpu.memory_space<hbm>>)
      } else {
      }
      %get3A_288 = arith.constant 0 : index
      %get3A_289 = arith.index_cast %multiple_of3A_282 : i32 to index
      %get3A_290 = vector.load %arg1[%get3A_288, %get3A_289] : memref<16x100000xbf16, #tpu.memory_space<vmem>>, vector<16x1024xbf16>
      %dot_general3A_291 = arith.constant dense<0.000000e+00> : vector<1024x1024xf32>
      %dot_general3A_292 = tpu.matmul %get3A_290, %convert_element_type3A, %dot_general3A_291 {dimension_numbers = #tpu.dot_dimension_numbers<[0], [0], [1], [1], [0, 1, 1, 1], [], []>, transpose_lhs_hint = false} : vector<16x1024xbf16>, vector<16x1024xbf16>, vector<1024x1024xf32> -> vector<1024x1024xf32>
      %get3A_293 = arith.constant 0 : index
      %get3A_294 = arith.index_cast %multiple_of3A_282 : i32 to index
      %get3A_295 = vector.load %arg2[%get3A_293, %get3A_294] : memref<1x100000xf32, #tpu.memory_space<vmem>>, vector<1x1024xf32>
      %transpose3A_296 = tpu.transpose %get3A_295, [1, 0] : vector<1x1024xf32> -> vector<1024x1xf32>
      %add3A_297 = vector.broadcast %transpose3A_296 : vector<1024x1xf32> to vector<1024x1024xf32>
      %add3A_298 = arith.addf %dot_general3A_292, %add3A_297 : vector<1024x1024xf32>
      %swap3A_299 = arith.constant 0 : index
      %swap3A_300 = arith.constant 0 : index
      %swap3A_301 = vector.load %arg7[%swap3A_299, %swap3A_300] : memref<1024x1024xf32, #tpu.memory_space<vmem>>, vector<1024x1024xf32>
      tpu.vector_store %arg7[%swap3A_299, %swap3A_300], %add3A_298 {strides = array<i32>} : memref<1024x1024xf32, #tpu.memory_space<vmem>>, vector<1024x1024xf32>,
      %add3A_302 = arith.constant 0 : i32
      %add3A_303 = arith.addi %multiple_of3A_282, %add3A_302 : i32
      %dma_start3A_304 = arith.constant 0 : i32
      %dma_start3A_305 = tpu.memref_slice %arg3[%add3A_303, %dma_start3A_304] : memref<100000x1024xf32, #tpu.memory_space<hbm>> -> memref<512x1024xf32, #tpu.memory_space<hbm>>
      %dma_start3A_306 = arith.constant 0 : i32
      %dma_start3A_307 = arith.constant 0 : i32
      %dma_start3A_308 = tpu.memref_slice %arg7[%dma_start3A_306, %dma_start3A_307] : memref<1024x1024xf32, #tpu.memory_space<vmem>> -> memref<512x1024xf32, #tpu.memory_space<vmem>>
      tpu.enqueue_dma source(%dma_start3A_308 : memref<512x1024xf32, #tpu.memory_space<vmem>>) target(%dma_start3A_305 : memref<512x1024xf32, #tpu.memory_space<hbm>>) target_semaphore(%arg25 : memref<!tpu.dma_semaphore, #tpu.memory_space<semaphore_mem>>)
      %add3A_309 = arith.constant 512 : i32
      %add3A_310 = arith.addi %multiple_of3A_282, %add3A_309 : i32
      %dma_start3A_311 = arith.constant 0 : i32
      %dma_start3A_312 = tpu.memref_slice %arg3[%add3A_310, %dma_start3A_311] : memref<100000x1024xf32, #tpu.memory_space<hbm>> -> memref<512x1024xf32, #tpu.memory_space<hbm>>
      %dma_start3A_313 = arith.constant 512 : i32
      %dma_start3A_314 = arith.constant 0 : i32
      %dma_start3A_315 = tpu.memref_slice %arg7[%dma_start3A_313, %dma_start3A_314] : memref<1024x1024xf32, #tpu.memory_space<vmem>> -> memref<512x1024xf32, #tpu.memory_space<vmem>>
      tpu.enqueue_dma source(%dma_start3A_315 : memref<512x1024xf32, #tpu.memory_space<vmem>>) target(%dma_start3A_312 : memref<512x1024xf32, #tpu.memory_space<hbm>>) target_semaphore(%arg26 : memref<!tpu.dma_semaphore, #tpu.memory_space<semaphore_mem>>)
      %mul3A_316 = arith.constant 8 : i32
      %mul3A_317 = arith.muli %add3A_158, %mul3A_316 : i32
      %add3A_318 = arith.constant 4 : i32
      %add3A_319 = arith.addi %mul3A_317, %add3A_318 : i32
      %mul3A_320 = arith.constant 1024 : i32
      %mul3A_321 = arith.muli %add3A_319, %mul3A_320 : i32
      %multiple_of3A_322 = tpu.assume_multiple %mul3A_321, 1024 : i32
      %gt3A_323 = arith.constant 0 : i32
      %gt3A_324 = arith.cmpi sgt, %add3A_158, %gt3A_323 : i32
      %convert_element_type3A_325 = arith.extui %gt3A_324 : i1 to i32
      %cond3A_326 = arith.constant 0 : i32
      %cond3A_327 = arith.cmpi ne, %convert_element_type3A_325, %cond3A_326 : i32
      scf.if %cond3A_327 {
        %add3A_476 = arith.constant 0 : i32
        %add3A_477 = arith.addi %multiple_of3A_322, %add3A_476 : i32
        %dma_wait3A_478 = arith.constant 0 : i32
        %dma_wait3A_479 = tpu.memref_slice %arg3[%add3A_477, %dma_wait3A_478] : memref<100000x1024xf32, #tpu.memory_space<hbm>> -> memref<512x1024xf32, #tpu.memory_space<hbm>>
        %dma_wait3A_480 = arith.constant 0 : i32
        %dma_wait3A_481 = arith.constant 0 : i32
        %dma_wait3A_482 = tpu.memref_slice %arg8[%dma_wait3A_480, %dma_wait3A_481] : memref<1024x1024xf32, #tpu.memory_space<vmem>> -> memref<512x1024xf32, #tpu.memory_space<vmem>>
        tpu.wait_dma2 semaphore(%arg29 : memref<!tpu.dma_semaphore, #tpu.memory_space<semaphore_mem>>) src(%dma_wait3A_482 : memref<512x1024xf32, #tpu.memory_space<vmem>>) dst(%dma_wait3A_479 : memref<512x1024xf32, #tpu.memory_space<hbm>>)
        %add3A_483 = arith.constant 512 : i32
        %add3A_484 = arith.addi %multiple_of3A_322, %add3A_483 : i32
        %dma_wait3A_485 = arith.constant 0 : i32
        %dma_wait3A_486 = tpu.memref_slice %arg3[%add3A_484, %dma_wait3A_485] : memref<100000x1024xf32, #tpu.memory_space<hbm>> -> memref<512x1024xf32, #tpu.memory_space<hbm>>
        %dma_wait3A_487 = arith.constant 512 : i32
        %dma_wait3A_488 = arith.constant 0 : i32
        %dma_wait3A_489 = tpu.memref_slice %arg8[%dma_wait3A_487, %dma_wait3A_488] : memref<1024x1024xf32, #tpu.memory_space<vmem>> -> memref<512x1024xf32, #tpu.memory_space<vmem>>
        tpu.wait_dma2 semaphore(%arg30 : memref<!tpu.dma_semaphore, #tpu.memory_space<semaphore_mem>>) src(%dma_wait3A_489 : memref<512x1024xf32, #tpu.memory_space<vmem>>) dst(%dma_wait3A_486 : memref<512x1024xf32, #tpu.memory_space<hbm>>)
      } else {
      }
      %get3A_328 = arith.constant 0 : index
      %get3A_329 = arith.index_cast %multiple_of3A_322 : i32 to index
      %get3A_330 = vector.load %arg1[%get3A_328, %get3A_329] : memref<16x100000xbf16, #tpu.memory_space<vmem>>, vector<16x1024xbf16>
      %dot_general3A_331 = arith.constant dense<0.000000e+00> : vector<1024x1024xf32>
      %dot_general3A_332 = tpu.matmul %get3A_330, %convert_element_type3A, %dot_general3A_331 {dimension_numbers = #tpu.dot_dimension_numbers<[0], [0], [1], [1], [0, 1, 1, 1], [], []>, transpose_lhs_hint = false} : vector<16x1024xbf16>, vector<16x1024xbf16>, vector<1024x1024xf32> -> vector<1024x1024xf32>
      %get3A_333 = arith.constant 0 : index
      %get3A_334 = arith.index_cast %multiple_of3A_322 : i32 to index
      %get3A_335 = vector.load %arg2[%get3A_333, %get3A_334] : memref<1x100000xf32, #tpu.memory_space<vmem>>, vector<1x1024xf32>
      %transpose3A_336 = tpu.transpose %get3A_335, [1, 0] : vector<1x1024xf32> -> vector<1024x1xf32>
      %add3A_337 = vector.broadcast %transpose3A_336 : vector<1024x1xf32> to vector<1024x1024xf32>
      %add3A_338 = arith.addf %dot_general3A_332, %add3A_337 : vector<1024x1024xf32>
      %swap3A_339 = arith.constant 0 : index
      %swap3A_340 = arith.constant 0 : index
      %swap3A_341 = vector.load %arg8[%swap3A_339, %swap3A_340] : memref<1024x1024xf32, #tpu.memory_space<vmem>>, vector<1024x1024xf32>
      tpu.vector_store %arg8[%swap3A_339, %swap3A_340], %add3A_338 {strides = array<i32>} : memref<1024x1024xf32, #tpu.memory_space<vmem>>, vector<1024x1024xf32>,
      %add3A_342 = arith.constant 0 : i32
      %add3A_343 = arith.addi %multiple_of3A_322, %add3A_342 : i32
      %dma_start3A_344 = arith.constant 0 : i32
      %dma_start3A_345 = tpu.memref_slice %arg3[%add3A_343, %dma_start3A_344] : memref<100000x1024xf32, #tpu.memory_space<hbm>> -> memref<512x1024xf32, #tpu.memory_space<hbm>>
      %dma_start3A_346 = arith.constant 0 : i32
      %dma_start3A_347 = arith.constant 0 : i32
      %dma_start3A_348 = tpu.memref_slice %arg8[%dma_start3A_346, %dma_start3A_347] : memref<1024x1024xf32, #tpu.memory_space<vmem>> -> memref<512x1024xf32, #tpu.memory_space<vmem>>
      tpu.enqueue_dma source(%dma_start3A_348 : memref<512x1024xf32, #tpu.memory_space<vmem>>) target(%dma_start3A_345 : memref<512x1024xf32, #tpu.memory_space<hbm>>) target_semaphore(%arg29 : memref<!tpu.dma_semaphore, #tpu.memory_space<semaphore_mem>>)
      %add3A_349 = arith.constant 512 : i32
      %add3A_350 = arith.addi %multiple_of3A_322, %add3A_349 : i32
      %dma_start3A_351 = arith.constant 0 : i32
      %dma_start3A_352 = tpu.memref_slice %arg3[%add3A_350, %dma_start3A_351] : memref<100000x1024xf32, #tpu.memory_space<hbm>> -> memref<512x1024xf32, #tpu.memory_space<hbm>>
      %dma_start3A_353 = arith.constant 512 : i32
      %dma_start3A_354 = arith.constant 0 : i32
      %dma_start3A_355 = tpu.memref_slice %arg8[%dma_start3A_353, %dma_start3A_354] : memref<1024x1024xf32, #tpu.memory_space<vmem>> -> memref<512x1024xf32, #tpu.memory_space<vmem>>
      tpu.enqueue_dma source(%dma_start3A_355 : memref<512x1024xf32, #tpu.memory_space<vmem>>) target(%dma_start3A_352 : memref<512x1024xf32, #tpu.memory_space<hbm>>) target_semaphore(%arg30 : memref<!tpu.dma_semaphore, #tpu.memory_space<semaphore_mem>>)
      %mul3A_356 = arith.constant 8 : i32
      %mul3A_357 = arith.muli %add3A_158, %mul3A_356 : i32
      %add3A_358 = arith.constant 5 : i32
      %add3A_359 = arith.addi %mul3A_357, %add3A_358 : i32
      %mul3A_360 = arith.constant 1024 : i32
      %mul3A_361 = arith.muli %add3A_359, %mul3A_360 : i32
      %multiple_of3A_362 = tpu.assume_multiple %mul3A_361, 1024 : i32
      %gt3A_363 = arith.constant 0 : i32
      %gt3A_364 = arith.cmpi sgt, %add3A_158, %gt3A_363 : i32
      %convert_element_type3A_365 = arith.extui %gt3A_364 : i1 to i32
      %cond3A_366 = arith.constant 0 : i32
      %cond3A_367 = arith.cmpi ne, %convert_element_type3A_365, %cond3A_366 : i32
      scf.if %cond3A_367 {
        %add3A_476 = arith.constant 0 : i32
        %add3A_477 = arith.addi %multiple_of3A_362, %add3A_476 : i32
        %dma_wait3A_478 = arith.constant 0 : i32
        %dma_wait3A_479 = tpu.memref_slice %arg3[%add3A_477, %dma_wait3A_478] : memref<100000x1024xf32, #tpu.memory_space<hbm>> -> memref<512x1024xf32, #tpu.memory_space<hbm>>
        %dma_wait3A_480 = arith.constant 0 : i32
        %dma_wait3A_481 = arith.constant 0 : i32
        %dma_wait3A_482 = tpu.memref_slice %arg9[%dma_wait3A_480, %dma_wait3A_481] : memref<1024x1024xf32, #tpu.memory_space<vmem>> -> memref<512x1024xf32, #tpu.memory_space<vmem>>
        tpu.wait_dma2 semaphore(%arg33 : memref<!tpu.dma_semaphore, #tpu.memory_space<semaphore_mem>>) src(%dma_wait3A_482 : memref<512x1024xf32, #tpu.memory_space<vmem>>) dst(%dma_wait3A_479 : memref<512x1024xf32, #tpu.memory_space<hbm>>)
        %add3A_483 = arith.constant 512 : i32
        %add3A_484 = arith.addi %multiple_of3A_362, %add3A_483 : i32
        %dma_wait3A_485 = arith.constant 0 : i32
        %dma_wait3A_486 = tpu.memref_slice %arg3[%add3A_484, %dma_wait3A_485] : memref<100000x1024xf32, #tpu.memory_space<hbm>> -> memref<512x1024xf32, #tpu.memory_space<hbm>>
        %dma_wait3A_487 = arith.constant 512 : i32
        %dma_wait3A_488 = arith.constant 0 : i32
        %dma_wait3A_489 = tpu.memref_slice %arg9[%dma_wait3A_487, %dma_wait3A_488] : memref<1024x1024xf32, #tpu.memory_space<vmem>> -> memref<512x1024xf32, #tpu.memory_space<vmem>>
        tpu.wait_dma2 semaphore(%arg34 : memref<!tpu.dma_semaphore, #tpu.memory_space<semaphore_mem>>) src(%dma_wait3A_489 : memref<512x1024xf32, #tpu.memory_space<vmem>>) dst(%dma_wait3A_486 : memref<512x1024xf32, #tpu.memory_space<hbm>>)
      } else {
      }
      %get3A_368 = arith.constant 0 : index
      %get3A_369 = arith.index_cast %multiple_of3A_362 : i32 to index
      %get3A_370 = vector.load %arg1[%get3A_368, %get3A_369] : memref<16x100000xbf16, #tpu.memory_space<vmem>>, vector<16x1024xbf16>
      %dot_general3A_371 = arith.constant dense<0.000000e+00> : vector<1024x1024xf32>
      %dot_general3A_372 = tpu.matmul %get3A_370, %convert_element_type3A, %dot_general3A_371 {dimension_numbers = #tpu.dot_dimension_numbers<[0], [0], [1], [1], [0, 1, 1, 1], [], []>, transpose_lhs_hint = false} : vector<16x1024xbf16>, vector<16x1024xbf16>, vector<1024x1024xf32> -> vector<1024x1024xf32>
      %get3A_373 = arith.constant 0 : index
      %get3A_374 = arith.index_cast %multiple_of3A_362 : i32 to index
      %get3A_375 = vector.load %arg2[%get3A_373, %get3A_374] : memref<1x100000xf32, #tpu.memory_space<vmem>>, vector<1x1024xf32>
      %transpose3A_376 = tpu.transpose %get3A_375, [1, 0] : vector<1x1024xf32> -> vector<1024x1xf32>
      %add3A_377 = vector.broadcast %transpose3A_376 : vector<1024x1xf32> to vector<1024x1024xf32>
      %add3A_378 = arith.addf %dot_general3A_372, %add3A_377 : vector<1024x1024xf32>
      %swap3A_379 = arith.constant 0 : index
      %swap3A_380 = arith.constant 0 : index
      %swap3A_381 = vector.load %arg9[%swap3A_379, %swap3A_380] : memref<1024x1024xf32, #tpu.memory_space<vmem>>, vector<1024x1024xf32>
      tpu.vector_store %arg9[%swap3A_379, %swap3A_380], %add3A_378 {strides = array<i32>} : memref<1024x1024xf32, #tpu.memory_space<vmem>>, vector<1024x1024xf32>,
      %add3A_382 = arith.constant 0 : i32
      %add3A_383 = arith.addi %multiple_of3A_362, %add3A_382 : i32
      %dma_start3A_384 = arith.constant 0 : i32
      %dma_start3A_385 = tpu.memref_slice %arg3[%add3A_383, %dma_start3A_384] : memref<100000x1024xf32, #tpu.memory_space<hbm>> -> memref<512x1024xf32, #tpu.memory_space<hbm>>
      %dma_start3A_386 = arith.constant 0 : i32
      %dma_start3A_387 = arith.constant 0 : i32
      %dma_start3A_388 = tpu.memref_slice %arg9[%dma_start3A_386, %dma_start3A_387] : memref<1024x1024xf32, #tpu.memory_space<vmem>> -> memref<512x1024xf32, #tpu.memory_space<vmem>>
      tpu.enqueue_dma source(%dma_start3A_388 : memref<512x1024xf32, #tpu.memory_space<vmem>>) target(%dma_start3A_385 : memref<512x1024xf32, #tpu.memory_space<hbm>>) target_semaphore(%arg33 : memref<!tpu.dma_semaphore, #tpu.memory_space<semaphore_mem>>)
      %add3A_389 = arith.constant 512 : i32
      %add3A_390 = arith.addi %multiple_of3A_362, %add3A_389 : i32
      %dma_start3A_391 = arith.constant 0 : i32
      %dma_start3A_392 = tpu.memref_slice %arg3[%add3A_390, %dma_start3A_391] : memref<100000x1024xf32, #tpu.memory_space<hbm>> -> memref<512x1024xf32, #tpu.memory_space<hbm>>
      %dma_start3A_393 = arith.constant 512 : i32
      %dma_start3A_394 = arith.constant 0 : i32
      %dma_start3A_395 = tpu.memref_slice %arg9[%dma_start3A_393, %dma_start3A_394] : memref<1024x1024xf32, #tpu.memory_space<vmem>> -> memref<512x1024xf32, #tpu.memory_space<vmem>>
      tpu.enqueue_dma source(%dma_start3A_395 : memref<512x1024xf32, #tpu.memory_space<vmem>>) target(%dma_start3A_392 : memref<512x1024xf32, #tpu.memory_space<hbm>>) target_semaphore(%arg34 : memref<!tpu.dma_semaphore, #tpu.memory_space<semaphore_mem>>)
      %mul3A_396 = arith.constant 8 : i32
      %mul3A_397 = arith.muli %add3A_158, %mul3A_396 : i32
      %add3A_398 = arith.constant 6 : i32
      %add3A_399 = arith.addi %mul3A_397, %add3A_398 : i32
      %mul3A_400 = arith.constant 1024 : i32
      %mul3A_401 = arith.muli %add3A_399, %mul3A_400 : i32
      %multiple_of3A_402 = tpu.assume_multiple %mul3A_401, 1024 : i32
      %gt3A_403 = arith.constant 0 : i32
      %gt3A_404 = arith.cmpi sgt, %add3A_158, %gt3A_403 : i32
      %convert_element_type3A_405 = arith.extui %gt3A_404 : i1 to i32
      %cond3A_406 = arith.constant 0 : i32
      %cond3A_407 = arith.cmpi ne, %convert_element_type3A_405, %cond3A_406 : i32
      scf.if %cond3A_407 {
        %add3A_476 = arith.constant 0 : i32
        %add3A_477 = arith.addi %multiple_of3A_402, %add3A_476 : i32
        %dma_wait3A_478 = arith.constant 0 : i32
        %dma_wait3A_479 = tpu.memref_slice %arg3[%add3A_477, %dma_wait3A_478] : memref<100000x1024xf32, #tpu.memory_space<hbm>> -> memref<512x1024xf32, #tpu.memory_space<hbm>>
        %dma_wait3A_480 = arith.constant 0 : i32
        %dma_wait3A_481 = arith.constant 0 : i32
        %dma_wait3A_482 = tpu.memref_slice %arg10[%dma_wait3A_480, %dma_wait3A_481] : memref<1024x1024xf32, #tpu.memory_space<vmem>> -> memref<512x1024xf32, #tpu.memory_space<vmem>>
        tpu.wait_dma2 semaphore(%arg37 : memref<!tpu.dma_semaphore, #tpu.memory_space<semaphore_mem>>) src(%dma_wait3A_482 : memref<512x1024xf32, #tpu.memory_space<vmem>>) dst(%dma_wait3A_479 : memref<512x1024xf32, #tpu.memory_space<hbm>>)
        %add3A_483 = arith.constant 512 : i32
        %add3A_484 = arith.addi %multiple_of3A_402, %add3A_483 : i32
        %dma_wait3A_485 = arith.constant 0 : i32
        %dma_wait3A_486 = tpu.memref_slice %arg3[%add3A_484, %dma_wait3A_485] : memref<100000x1024xf32, #tpu.memory_space<hbm>> -> memref<512x1024xf32, #tpu.memory_space<hbm>>
        %dma_wait3A_487 = arith.constant 512 : i32
        %dma_wait3A_488 = arith.constant 0 : i32
        %dma_wait3A_489 = tpu.memref_slice %arg10[%dma_wait3A_487, %dma_wait3A_488] : memref<1024x1024xf32, #tpu.memory_space<vmem>> -> memref<512x1024xf32, #tpu.memory_space<vmem>>
        tpu.wait_dma2 semaphore(%arg38 : memref<!tpu.dma_semaphore, #tpu.memory_space<semaphore_mem>>) src(%dma_wait3A_489 : memref<512x1024xf32, #tpu.memory_space<vmem>>) dst(%dma_wait3A_486 : memref<512x1024xf32, #tpu.memory_space<hbm>>)
      } else {
      }
      %get3A_408 = arith.constant 0 : index
      %get3A_409 = arith.index_cast %multiple_of3A_402 : i32 to index
      %get3A_410 = vector.load %arg1[%get3A_408, %get3A_409] : memref<16x100000xbf16, #tpu.memory_space<vmem>>, vector<16x1024xbf16>
      %dot_general3A_411 = arith.constant dense<0.000000e+00> : vector<1024x1024xf32>
      %dot_general3A_412 = tpu.matmul %get3A_410, %convert_element_type3A, %dot_general3A_411 {dimension_numbers = #tpu.dot_dimension_numbers<[0], [0], [1], [1], [0, 1, 1, 1], [], []>, transpose_lhs_hint = false} : vector<16x1024xbf16>, vector<16x1024xbf16>, vector<1024x1024xf32> -> vector<1024x1024xf32>
      %get3A_413 = arith.constant 0 : index
      %get3A_414 = arith.index_cast %multiple_of3A_402 : i32 to index
      %get3A_415 = vector.load %arg2[%get3A_413, %get3A_414] : memref<1x100000xf32, #tpu.memory_space<vmem>>, vector<1x1024xf32>
      %transpose3A_416 = tpu.transpose %get3A_415, [1, 0] : vector<1x1024xf32> -> vector<1024x1xf32>
      %add3A_417 = vector.broadcast %transpose3A_416 : vector<1024x1xf32> to vector<1024x1024xf32>
      %add3A_418 = arith.addf %dot_general3A_412, %add3A_417 : vector<1024x1024xf32>
      %swap3A_419 = arith.constant 0 : index
      %swap3A_420 = arith.constant 0 : index
      %swap3A_421 = vector.load %arg10[%swap3A_419, %swap3A_420] : memref<1024x1024xf32, #tpu.memory_space<vmem>>, vector<1024x1024xf32>
      tpu.vector_store %arg10[%swap3A_419, %swap3A_420], %add3A_418 {strides = array<i32>} : memref<1024x1024xf32, #tpu.memory_space<vmem>>, vector<1024x1024xf32>,
      %add3A_422 = arith.constant 0 : i32
      %add3A_423 = arith.addi %multiple_of3A_402, %add3A_422 : i32
      %dma_start3A_424 = arith.constant 0 : i32
      %dma_start3A_425 = tpu.memref_slice %arg3[%add3A_423, %dma_start3A_424] : memref<100000x1024xf32, #tpu.memory_space<hbm>> -> memref<512x1024xf32, #tpu.memory_space<hbm>>
      %dma_start3A_426 = arith.constant 0 : i32
      %dma_start3A_427 = arith.constant 0 : i32
      %dma_start3A_428 = tpu.memref_slice %arg10[%dma_start3A_426, %dma_start3A_427] : memref<1024x1024xf32, #tpu.memory_space<vmem>> -> memref<512x1024xf32, #tpu.memory_space<vmem>>
      tpu.enqueue_dma source(%dma_start3A_428 : memref<512x1024xf32, #tpu.memory_space<vmem>>) target(%dma_start3A_425 : memref<512x1024xf32, #tpu.memory_space<hbm>>) target_semaphore(%arg37 : memref<!tpu.dma_semaphore, #tpu.memory_space<semaphore_mem>>)
      %add3A_429 = arith.constant 512 : i32
      %add3A_430 = arith.addi %multiple_of3A_402, %add3A_429 : i32
      %dma_start3A_431 = arith.constant 0 : i32
      %dma_start3A_432 = tpu.memref_slice %arg3[%add3A_430, %dma_start3A_431] : memref<100000x1024xf32, #tpu.memory_space<hbm>> -> memref<512x1024xf32, #tpu.memory_space<hbm>>
      %dma_start3A_433 = arith.constant 512 : i32
      %dma_start3A_434 = arith.constant 0 : i32
      %dma_start3A_435 = tpu.memref_slice %arg10[%dma_start3A_433, %dma_start3A_434] : memref<1024x1024xf32, #tpu.memory_space<vmem>> -> memref<512x1024xf32, #tpu.memory_space<vmem>>
      tpu.enqueue_dma source(%dma_start3A_435 : memref<512x1024xf32, #tpu.memory_space<vmem>>) target(%dma_start3A_432 : memref<512x1024xf32, #tpu.memory_space<hbm>>) target_semaphore(%arg38 : memref<!tpu.dma_semaphore, #tpu.memory_space<semaphore_mem>>)
      %mul3A_436 = arith.constant 8 : i32
      %mul3A_437 = arith.muli %add3A_158, %mul3A_436 : i32
      %add3A_438 = arith.constant 7 : i32
      %add3A_439 = arith.addi %mul3A_437, %add3A_438 : i32
      %mul3A_440 = arith.constant 1024 : i32
      %mul3A_441 = arith.muli %add3A_439, %mul3A_440 : i32
      %multiple_of3A_442 = tpu.assume_multiple %mul3A_441, 1024 : i32
      %gt3A_443 = arith.constant 0 : i32
      %gt3A_444 = arith.cmpi sgt, %add3A_158, %gt3A_443 : i32
      %convert_element_type3A_445 = arith.extui %gt3A_444 : i1 to i32
      %cond3A_446 = arith.constant 0 : i32
      %cond3A_447 = arith.cmpi ne, %convert_element_type3A_445, %cond3A_446 : i32
      scf.if %cond3A_447 {
        %add3A_476 = arith.constant 0 : i32
        %add3A_477 = arith.addi %multiple_of3A_442, %add3A_476 : i32
        %dma_wait3A_478 = arith.constant 0 : i32
        %dma_wait3A_479 = tpu.memref_slice %arg3[%add3A_477, %dma_wait3A_478] : memref<100000x1024xf32, #tpu.memory_space<hbm>> -> memref<512x1024xf32, #tpu.memory_space<hbm>>
        %dma_wait3A_480 = arith.constant 0 : i32
        %dma_wait3A_481 = arith.constant 0 : i32
        %dma_wait3A_482 = tpu.memref_slice %arg11[%dma_wait3A_480, %dma_wait3A_481] : memref<1024x1024xf32, #tpu.memory_space<vmem>> -> memref<512x1024xf32, #tpu.memory_space<vmem>>
        tpu.wait_dma2 semaphore(%arg41 : memref<!tpu.dma_semaphore, #tpu.memory_space<semaphore_mem>>) src(%dma_wait3A_482 : memref<512x1024xf32, #tpu.memory_space<vmem>>) dst(%dma_wait3A_479 : memref<512x1024xf32, #tpu.memory_space<hbm>>)
        %add3A_483 = arith.constant 512 : i32
        %add3A_484 = arith.addi %multiple_of3A_442, %add3A_483 : i32
        %dma_wait3A_485 = arith.constant 0 : i32
        %dma_wait3A_486 = tpu.memref_slice %arg3[%add3A_484, %dma_wait3A_485] : memref<100000x1024xf32, #tpu.memory_space<hbm>> -> memref<512x1024xf32, #tpu.memory_space<hbm>>
        %dma_wait3A_487 = arith.constant 512 : i32
        %dma_wait3A_488 = arith.constant 0 : i32
        %dma_wait3A_489 = tpu.memref_slice %arg11[%dma_wait3A_487, %dma_wait3A_488] : memref<1024x1024xf32, #tpu.memory_space<vmem>> -> memref<512x1024xf32, #tpu.memory_space<vmem>>
        tpu.wait_dma2 semaphore(%arg42 : memref<!tpu.dma_semaphore, #tpu.memory_space<semaphore_mem>>) src(%dma_wait3A_489 : memref<512x1024xf32, #tpu.memory_space<vmem>>) dst(%dma_wait3A_486 : memref<512x1024xf32, #tpu.memory_space<hbm>>)
      } else {
      }
      %get3A_448 = arith.constant 0 : index
      %get3A_449 = arith.index_cast %multiple_of3A_442 : i32 to index
      %get3A_450 = vector.load %arg1[%get3A_448, %get3A_449] : memref<16x100000xbf16, #tpu.memory_space<vmem>>, vector<16x1024xbf16>
      %dot_general3A_451 = arith.constant dense<0.000000e+00> : vector<1024x1024xf32>
      %dot_general3A_452 = tpu.matmul %get3A_450, %convert_element_type3A, %dot_general3A_451 {dimension_numbers = #tpu.dot_dimension_numbers<[0], [0], [1], [1], [0, 1, 1, 1], [], []>, transpose_lhs_hint = false} : vector<16x1024xbf16>, vector<16x1024xbf16>, vector<1024x1024xf32> -> vector<1024x1024xf32>
      %get3A_453 = arith.constant 0 : index
      %get3A_454 = arith.index_cast %multiple_of3A_442 : i32 to index
      %get3A_455 = vector.load %arg2[%get3A_453, %get3A_454] : memref<1x100000xf32, #tpu.memory_space<vmem>>, vector<1x1024xf32>
      %transpose3A_456 = tpu.transpose %get3A_455, [1, 0] : vector<1x1024xf32> -> vector<1024x1xf32>
      %add3A_457 = vector.broadcast %transpose3A_456 : vector<1024x1xf32> to vector<1024x1024xf32>
      %add3A_458 = arith.addf %dot_general3A_452, %add3A_457 : vector<1024x1024xf32>
      %swap3A_459 = arith.constant 0 : index
      %swap3A_460 = arith.constant 0 : index
      %swap3A_461 = vector.load %arg11[%swap3A_459, %swap3A_460] : memref<1024x1024xf32, #tpu.memory_space<vmem>>, vector<1024x1024xf32>
      tpu.vector_store %arg11[%swap3A_459, %swap3A_460], %add3A_458 {strides = array<i32>} : memref<1024x1024xf32, #tpu.memory_space<vmem>>, vector<1024x1024xf32>,
      %add3A_462 = arith.constant 0 : i32
      %add3A_463 = arith.addi %multiple_of3A_442, %add3A_462 : i32
      %dma_start3A_464 = arith.constant 0 : i32
      %dma_start3A_465 = tpu.memref_slice %arg3[%add3A_463, %dma_start3A_464] : memref<100000x1024xf32, #tpu.memory_space<hbm>> -> memref<512x1024xf32, #tpu.memory_space<hbm>>
      %dma_start3A_466 = arith.constant 0 : i32
      %dma_start3A_467 = arith.constant 0 : i32
      %dma_start3A_468 = tpu.memref_slice %arg11[%dma_start3A_466, %dma_start3A_467] : memref<1024x1024xf32, #tpu.memory_space<vmem>> -> memref<512x1024xf32, #tpu.memory_space<vmem>>
      tpu.enqueue_dma source(%dma_start3A_468 : memref<512x1024xf32, #tpu.memory_space<vmem>>) target(%dma_start3A_465 : memref<512x1024xf32, #tpu.memory_space<hbm>>) target_semaphore(%arg41 : memref<!tpu.dma_semaphore, #tpu.memory_space<semaphore_mem>>)
      %add3A_469 = arith.constant 512 : i32
      %add3A_470 = arith.addi %multiple_of3A_442, %add3A_469 : i32
      %dma_start3A_471 = arith.constant 0 : i32
      %dma_start3A_472 = tpu.memref_slice %arg3[%add3A_470, %dma_start3A_471] : memref<100000x1024xf32, #tpu.memory_space<hbm>> -> memref<512x1024xf32, #tpu.memory_space<hbm>>
      %dma_start3A_473 = arith.constant 512 : i32
      %dma_start3A_474 = arith.constant 0 : i32
      %dma_start3A_475 = tpu.memref_slice %arg11[%dma_start3A_473, %dma_start3A_474] : memref<1024x1024xf32, #tpu.memory_space<vmem>> -> memref<512x1024xf32, #tpu.memory_space<vmem>>
      tpu.enqueue_dma source(%dma_start3A_475 : memref<512x1024xf32, #tpu.memory_space<vmem>>) target(%dma_start3A_472 : memref<512x1024xf32, #tpu.memory_space<hbm>>) target_semaphore(%arg42 : memref<!tpu.dma_semaphore, #tpu.memory_space<semaphore_mem>>)
    }
    %scan3A_5 = arith.constant 12 : i32
    %dma_wait3A = arith.constant 0 : i32
    %dma_wait3A_6 = arith.constant 0 : i32
    %dma_wait3A_7 = tpu.memref_slice %arg3[%dma_wait3A, %dma_wait3A_6] : memref<100000x1024xf32, #tpu.memory_space<hbm>> -> memref<512x1024xf32, #tpu.memory_space<hbm>>
    %dma_wait3A_8 = arith.constant 0 : i32
    %dma_wait3A_9 = arith.constant 0 : i32
    %dma_wait3A_10 = tpu.memref_slice %arg4[%dma_wait3A_8, %dma_wait3A_9] : memref<1024x1024xf32, #tpu.memory_space<vmem>> -> memref<512x1024xf32, #tpu.memory_space<vmem>>
    tpu.wait_dma2 semaphore(%arg13 : memref<!tpu.dma_semaphore, #tpu.memory_space<semaphore_mem>>) src(%dma_wait3A_10 : memref<512x1024xf32, #tpu.memory_space<vmem>>) dst(%dma_wait3A_7 : memref<512x1024xf32, #tpu.memory_space<hbm>>)
    %dma_wait3A_11 = arith.constant 512 : i32
    %dma_wait3A_12 = arith.constant 0 : i32
    %dma_wait3A_13 = tpu.memref_slice %arg3[%dma_wait3A_11, %dma_wait3A_12] : memref<100000x1024xf32, #tpu.memory_space<hbm>> -> memref<512x1024xf32, #tpu.memory_space<hbm>>
    %dma_wait3A_14 = arith.constant 512 : i32
    %dma_wait3A_15 = arith.constant 0 : i32
    %dma_wait3A_16 = tpu.memref_slice %arg4[%dma_wait3A_14, %dma_wait3A_15] : memref<1024x1024xf32, #tpu.memory_space<vmem>> -> memref<512x1024xf32, #tpu.memory_space<vmem>>
    tpu.wait_dma2 semaphore(%arg14 : memref<!tpu.dma_semaphore, #tpu.memory_space<semaphore_mem>>) src(%dma_wait3A_16 : memref<512x1024xf32, #tpu.memory_space<vmem>>) dst(%dma_wait3A_13 : memref<512x1024xf32, #tpu.memory_space<hbm>>)
    %get3A_17 = arith.constant 0 : index
    %get3A_18 = arith.constant 98304 : index
    %get3A_19 = vector.load %arg1[%get3A_17, %get3A_18] : memref<16x100000xbf16, #tpu.memory_space<vmem>>, vector<16x1024xbf16>
    %dot_general3A = arith.constant dense<0.000000e+00> : vector<1024x1024xf32>
    %dot_general3A_20 = tpu.matmul %get3A_19, %convert_element_type3A, %dot_general3A {dimension_numbers = #tpu.dot_dimension_numbers<[0], [0], [1], [1], [0, 1, 1, 1], [], []>, transpose_lhs_hint = false} : vector<16x1024xbf16>, vector<16x1024xbf16>, vector<1024x1024xf32> -> vector<1024x1024xf32>
    %get3A_21 = arith.constant 0 : index
    %get3A_22 = arith.constant 98304 : index
    %get3A_23 = vector.load %arg2[%get3A_21, %get3A_22] : memref<1x100000xf32, #tpu.memory_space<vmem>>, vector<1x1024xf32>
    %transpose3A_24 = tpu.transpose %get3A_23, [1, 0] : vector<1x1024xf32> -> vector<1024x1xf32>
    %add3A = vector.broadcast %transpose3A_24 : vector<1024x1xf32> to vector<1024x1024xf32>
    %add3A_25 = arith.addf %dot_general3A_20, %add3A : vector<1024x1024xf32>
    %swap3A = arith.constant 0 : index
    %swap3A_26 = arith.constant 0 : index
    %swap3A_27 = vector.load %arg4[%swap3A, %swap3A_26] : memref<1024x1024xf32, #tpu.memory_space<vmem>>, vector<1024x1024xf32>
    tpu.vector_store %arg4[%swap3A, %swap3A_26], %add3A_25 {strides = array<i32>} : memref<1024x1024xf32, #tpu.memory_space<vmem>>, vector<1024x1024xf32>,
    %dma_start3A = arith.constant 98304 : i32
    %dma_start3A_28 = arith.constant 0 : i32
    %dma_start3A_29 = tpu.memref_slice %arg3[%dma_start3A, %dma_start3A_28] : memref<100000x1024xf32, #tpu.memory_space<hbm>> -> memref<512x1024xf32, #tpu.memory_space<hbm>>
    %dma_start3A_30 = arith.constant 0 : i32
    %dma_start3A_31 = arith.constant 0 : i32
    %dma_start3A_32 = tpu.memref_slice %arg4[%dma_start3A_30, %dma_start3A_31] : memref<1024x1024xf32, #tpu.memory_space<vmem>> -> memref<512x1024xf32, #tpu.memory_space<vmem>>
    tpu.enqueue_dma source(%dma_start3A_32 : memref<512x1024xf32, #tpu.memory_space<vmem>>) target(%dma_start3A_29 : memref<512x1024xf32, #tpu.memory_space<hbm>>) target_semaphore(%arg13 : memref<!tpu.dma_semaphore, #tpu.memory_space<semaphore_mem>>)
    %dma_start3A_33 = arith.constant 98816 : i32
    %dma_start3A_34 = arith.constant 0 : i32
    %dma_start3A_35 = tpu.memref_slice %arg3[%dma_start3A_33, %dma_start3A_34] : memref<100000x1024xf32, #tpu.memory_space<hbm>> -> memref<512x1024xf32, #tpu.memory_space<hbm>>
    %dma_start3A_36 = arith.constant 512 : i32
    %dma_start3A_37 = arith.constant 0 : i32
    %dma_start3A_38 = tpu.memref_slice %arg4[%dma_start3A_36, %dma_start3A_37] : memref<1024x1024xf32, #tpu.memory_space<vmem>> -> memref<512x1024xf32, #tpu.memory_space<vmem>>
    tpu.enqueue_dma source(%dma_start3A_38 : memref<512x1024xf32, #tpu.memory_space<vmem>>) target(%dma_start3A_35 : memref<512x1024xf32, #tpu.memory_space<hbm>>) target_semaphore(%arg14 : memref<!tpu.dma_semaphore, #tpu.memory_space<semaphore_mem>>)
    %get3A_39 = arith.constant 0 : index
    %get3A_40 = arith.constant 99328 : index
    %get3A_41 = vector.load %arg1[%get3A_39, %get3A_40] : memref<16x100000xbf16, #tpu.memory_space<vmem>>, vector<16x672xbf16>
    %dot_general3A_42 = arith.constant dense<0.000000e+00> : vector<672x1024xf32>
    %dot_general3A_43 = tpu.matmul %get3A_41, %convert_element_type3A, %dot_general3A_42 {dimension_numbers = #tpu.dot_dimension_numbers<[0], [0], [1], [1], [0, 1, 1, 1], [], []>, transpose_lhs_hint = false} : vector<16x672xbf16>, vector<16x1024xbf16>, vector<672x1024xf32> -> vector<672x1024xf32>
    %get3A_44 = arith.constant 0 : index
    %get3A_45 = arith.constant 99328 : index
    %get3A_46 = vector.load %arg2[%get3A_44, %get3A_45] : memref<1x100000xf32, #tpu.memory_space<vmem>>, vector<1x672xf32>
    %transpose3A_47 = tpu.transpose %get3A_46, [1, 0] : vector<1x672xf32> -> vector<672x1xf32>
    %add3A_48 = vector.broadcast %transpose3A_47 : vector<672x1xf32> to vector<672x1024xf32>
    %add3A_49 = arith.addf %dot_general3A_43, %add3A_48 : vector<672x1024xf32>
    %swap3A_50 = arith.constant 0 : index
    %swap3A_51 = arith.constant 0 : index
    %swap3A_52 = vector.load %arg12[%swap3A_50, %swap3A_51] : memref<672x1024xf32, #tpu.memory_space<vmem>>, vector<672x1024xf32>
    tpu.vector_store %arg12[%swap3A_50, %swap3A_51], %add3A_49 {strides = array<i32>} : memref<672x1024xf32, #tpu.memory_space<vmem>>, vector<672x1024xf32>,
    %dma_start3A_53 = arith.constant 99328 : i32
    %dma_start3A_54 = arith.constant 0 : i32
    %dma_start3A_55 = tpu.memref_slice %arg3[%dma_start3A_53, %dma_start3A_54] : memref<100000x1024xf32, #tpu.memory_space<hbm>> -> memref<672x1024xf32, #tpu.memory_space<hbm>>
    tpu.enqueue_dma source(%arg12 : memref<672x1024xf32, #tpu.memory_space<vmem>>) target(%dma_start3A_55 : memref<672x1024xf32, #tpu.memory_space<hbm>>) target_semaphore(%arg45 : memref<!tpu.dma_semaphore, #tpu.memory_space<semaphore_mem>>)
    %dma_wait3A_56 = arith.constant 0 : i32
    %dma_wait3A_57 = arith.constant 0 : i32
    %dma_wait3A_58 = tpu.memref_slice %arg3[%dma_wait3A_56, %dma_wait3A_57] : memref<100000x1024xf32, #tpu.memory_space<hbm>> -> memref<512x1024xf32, #tpu.memory_space<hbm>>
    %dma_wait3A_59 = arith.constant 0 : i32
    %dma_wait3A_60 = arith.constant 0 : i32
    %dma_wait3A_61 = tpu.memref_slice %arg5[%dma_wait3A_59, %dma_wait3A_60] : memref<1024x1024xf32, #tpu.memory_space<vmem>> -> memref<512x1024xf32, #tpu.memory_space<vmem>>
    tpu.wait_dma2 semaphore(%arg17 : memref<!tpu.dma_semaphore, #tpu.memory_space<semaphore_mem>>) src(%dma_wait3A_61 : memref<512x1024xf32, #tpu.memory_space<vmem>>) dst(%dma_wait3A_58 : memref<512x1024xf32, #tpu.memory_space<hbm>>)
    %dma_wait3A_62 = arith.constant 512 : i32
    %dma_wait3A_63 = arith.constant 0 : i32
    %dma_wait3A_64 = tpu.memref_slice %arg3[%dma_wait3A_62, %dma_wait3A_63] : memref<100000x1024xf32, #tpu.memory_space<hbm>> -> memref<512x1024xf32, #tpu.memory_space<hbm>>
    %dma_wait3A_65 = arith.constant 512 : i32
    %dma_wait3A_66 = arith.constant 0 : i32
    %dma_wait3A_67 = tpu.memref_slice %arg5[%dma_wait3A_65, %dma_wait3A_66] : memref<1024x1024xf32, #tpu.memory_space<vmem>> -> memref<512x1024xf32, #tpu.memory_space<vmem>>
    tpu.wait_dma2 semaphore(%arg18 : memref<!tpu.dma_semaphore, #tpu.memory_space<semaphore_mem>>) src(%dma_wait3A_67 : memref<512x1024xf32, #tpu.memory_space<vmem>>) dst(%dma_wait3A_64 : memref<512x1024xf32, #tpu.memory_space<hbm>>)
    %dma_wait3A_68 = arith.constant 0 : i32
    %dma_wait3A_69 = arith.constant 0 : i32
    %dma_wait3A_70 = tpu.memref_slice %arg3[%dma_wait3A_68, %dma_wait3A_69] : memref<100000x1024xf32, #tpu.memory_space<hbm>> -> memref<512x1024xf32, #tpu.memory_space<hbm>>
    %dma_wait3A_71 = arith.constant 0 : i32
    %dma_wait3A_72 = arith.constant 0 : i32
    %dma_wait3A_73 = tpu.memref_slice %arg6[%dma_wait3A_71, %dma_wait3A_72] : memref<1024x1024xf32, #tpu.memory_space<vmem>> -> memref<512x1024xf32, #tpu.memory_space<vmem>>
    tpu.wait_dma2 semaphore(%arg21 : memref<!tpu.dma_semaphore, #tpu.memory_space<semaphore_mem>>) src(%dma_wait3A_73 : memref<512x1024xf32, #tpu.memory_space<vmem>>) dst(%dma_wait3A_70 : memref<512x1024xf32, #tpu.memory_space<hbm>>)
    %dma_wait3A_74 = arith.constant 512 : i32
    %dma_wait3A_75 = arith.constant 0 : i32
    %dma_wait3A_76 = tpu.memref_slice %arg3[%dma_wait3A_74, %dma_wait3A_75] : memref<100000x1024xf32, #tpu.memory_space<hbm>> -> memref<512x1024xf32, #tpu.memory_space<hbm>>
    %dma_wait3A_77 = arith.constant 512 : i32
    %dma_wait3A_78 = arith.constant 0 : i32
    %dma_wait3A_79 = tpu.memref_slice %arg6[%dma_wait3A_77, %dma_wait3A_78] : memref<1024x1024xf32, #tpu.memory_space<vmem>> -> memref<512x1024xf32, #tpu.memory_space<vmem>>
    tpu.wait_dma2 semaphore(%arg22 : memref<!tpu.dma_semaphore, #tpu.memory_space<semaphore_mem>>) src(%dma_wait3A_79 : memref<512x1024xf32, #tpu.memory_space<vmem>>) dst(%dma_wait3A_76 : memref<512x1024xf32, #tpu.memory_space<hbm>>)
    %dma_wait3A_80 = arith.constant 0 : i32
    %dma_wait3A_81 = arith.constant 0 : i32
    %dma_wait3A_82 = tpu.memref_slice %arg3[%dma_wait3A_80, %dma_wait3A_81] : memref<100000x1024xf32, #tpu.memory_space<hbm>> -> memref<512x1024xf32, #tpu.memory_space<hbm>>
    %dma_wait3A_83 = arith.constant 0 : i32
    %dma_wait3A_84 = arith.constant 0 : i32
    %dma_wait3A_85 = tpu.memref_slice %arg7[%dma_wait3A_83, %dma_wait3A_84] : memref<1024x1024xf32, #tpu.memory_space<vmem>> -> memref<512x1024xf32, #tpu.memory_space<vmem>>
    tpu.wait_dma2 semaphore(%arg25 : memref<!tpu.dma_semaphore, #tpu.memory_space<semaphore_mem>>) src(%dma_wait3A_85 : memref<512x1024xf32, #tpu.memory_space<vmem>>) dst(%dma_wait3A_82 : memref<512x1024xf32, #tpu.memory_space<hbm>>)
    %dma_wait3A_86 = arith.constant 512 : i32
    %dma_wait3A_87 = arith.constant 0 : i32
    %dma_wait3A_88 = tpu.memref_slice %arg3[%dma_wait3A_86, %dma_wait3A_87] : memref<100000x1024xf32, #tpu.memory_space<hbm>> -> memref<512x1024xf32, #tpu.memory_space<hbm>>
    %dma_wait3A_89 = arith.constant 512 : i32
    %dma_wait3A_90 = arith.constant 0 : i32
    %dma_wait3A_91 = tpu.memref_slice %arg7[%dma_wait3A_89, %dma_wait3A_90] : memref<1024x1024xf32, #tpu.memory_space<vmem>> -> memref<512x1024xf32, #tpu.memory_space<vmem>>
    tpu.wait_dma2 semaphore(%arg26 : memref<!tpu.dma_semaphore, #tpu.memory_space<semaphore_mem>>) src(%dma_wait3A_91 : memref<512x1024xf32, #tpu.memory_space<vmem>>) dst(%dma_wait3A_88 : memref<512x1024xf32, #tpu.memory_space<hbm>>)
    %dma_wait3A_92 = arith.constant 0 : i32
    %dma_wait3A_93 = arith.constant 0 : i32
    %dma_wait3A_94 = tpu.memref_slice %arg3[%dma_wait3A_92, %dma_wait3A_93] : memref<100000x1024xf32, #tpu.memory_space<hbm>> -> memref<512x1024xf32, #tpu.memory_space<hbm>>
    %dma_wait3A_95 = arith.constant 0 : i32
    %dma_wait3A_96 = arith.constant 0 : i32
    %dma_wait3A_97 = tpu.memref_slice %arg8[%dma_wait3A_95, %dma_wait3A_96] : memref<1024x1024xf32, #tpu.memory_space<vmem>> -> memref<512x1024xf32, #tpu.memory_space<vmem>>
    tpu.wait_dma2 semaphore(%arg29 : memref<!tpu.dma_semaphore, #tpu.memory_space<semaphore_mem>>) src(%dma_wait3A_97 : memref<512x1024xf32, #tpu.memory_space<vmem>>) dst(%dma_wait3A_94 : memref<512x1024xf32, #tpu.memory_space<hbm>>)
    %dma_wait3A_98 = arith.constant 512 : i32
    %dma_wait3A_99 = arith.constant 0 : i32
    %dma_wait3A_100 = tpu.memref_slice %arg3[%dma_wait3A_98, %dma_wait3A_99] : memref<100000x1024xf32, #tpu.memory_space<hbm>> -> memref<512x1024xf32, #tpu.memory_space<hbm>>
    %dma_wait3A_101 = arith.constant 512 : i32
    %dma_wait3A_102 = arith.constant 0 : i32
    %dma_wait3A_103 = tpu.memref_slice %arg8[%dma_wait3A_101, %dma_wait3A_102] : memref<1024x1024xf32, #tpu.memory_space<vmem>> -> memref<512x1024xf32, #tpu.memory_space<vmem>>
    tpu.wait_dma2 semaphore(%arg30 : memref<!tpu.dma_semaphore, #tpu.memory_space<semaphore_mem>>) src(%dma_wait3A_103 : memref<512x1024xf32, #tpu.memory_space<vmem>>) dst(%dma_wait3A_100 : memref<512x1024xf32, #tpu.memory_space<hbm>>)
    %dma_wait3A_104 = arith.constant 0 : i32
    %dma_wait3A_105 = arith.constant 0 : i32
    %dma_wait3A_106 = tpu.memref_slice %arg3[%dma_wait3A_104, %dma_wait3A_105] : memref<100000x1024xf32, #tpu.memory_space<hbm>> -> memref<512x1024xf32, #tpu.memory_space<hbm>>
    %dma_wait3A_107 = arith.constant 0 : i32
    %dma_wait3A_108 = arith.constant 0 : i32
    %dma_wait3A_109 = tpu.memref_slice %arg9[%dma_wait3A_107, %dma_wait3A_108] : memref<1024x1024xf32, #tpu.memory_space<vmem>> -> memref<512x1024xf32, #tpu.memory_space<vmem>>
    tpu.wait_dma2 semaphore(%arg33 : memref<!tpu.dma_semaphore, #tpu.memory_space<semaphore_mem>>) src(%dma_wait3A_109 : memref<512x1024xf32, #tpu.memory_space<vmem>>) dst(%dma_wait3A_106 : memref<512x1024xf32, #tpu.memory_space<hbm>>)
    %dma_wait3A_110 = arith.constant 512 : i32
    %dma_wait3A_111 = arith.constant 0 : i32
    %dma_wait3A_112 = tpu.memref_slice %arg3[%dma_wait3A_110, %dma_wait3A_111] : memref<100000x1024xf32, #tpu.memory_space<hbm>> -> memref<512x1024xf32, #tpu.memory_space<hbm>>
    %dma_wait3A_113 = arith.constant 512 : i32
    %dma_wait3A_114 = arith.constant 0 : i32
    %dma_wait3A_115 = tpu.memref_slice %arg9[%dma_wait3A_113, %dma_wait3A_114] : memref<1024x1024xf32, #tpu.memory_space<vmem>> -> memref<512x1024xf32, #tpu.memory_space<vmem>>
    tpu.wait_dma2 semaphore(%arg34 : memref<!tpu.dma_semaphore, #tpu.memory_space<semaphore_mem>>) src(%dma_wait3A_115 : memref<512x1024xf32, #tpu.memory_space<vmem>>) dst(%dma_wait3A_112 : memref<512x1024xf32, #tpu.memory_space<hbm>>)
    %dma_wait3A_116 = arith.constant 0 : i32
    %dma_wait3A_117 = arith.constant 0 : i32
    %dma_wait3A_118 = tpu.memref_slice %arg3[%dma_wait3A_116, %dma_wait3A_117] : memref<100000x1024xf32, #tpu.memory_space<hbm>> -> memref<512x1024xf32, #tpu.memory_space<hbm>>
    %dma_wait3A_119 = arith.constant 0 : i32
    %dma_wait3A_120 = arith.constant 0 : i32
    %dma_wait3A_121 = tpu.memref_slice %arg10[%dma_wait3A_119, %dma_wait3A_120] : memref<1024x1024xf32, #tpu.memory_space<vmem>> -> memref<512x1024xf32, #tpu.memory_space<vmem>>
    tpu.wait_dma2 semaphore(%arg37 : memref<!tpu.dma_semaphore, #tpu.memory_space<semaphore_mem>>) src(%dma_wait3A_121 : memref<512x1024xf32, #tpu.memory_space<vmem>>) dst(%dma_wait3A_118 : memref<512x1024xf32, #tpu.memory_space<hbm>>)
    %dma_wait3A_122 = arith.constant 512 : i32
    %dma_wait3A_123 = arith.constant 0 : i32
    %dma_wait3A_124 = tpu.memref_slice %arg3[%dma_wait3A_122, %dma_wait3A_123] : memref<100000x1024xf32, #tpu.memory_space<hbm>> -> memref<512x1024xf32, #tpu.memory_space<hbm>>
    %dma_wait3A_125 = arith.constant 512 : i32
    %dma_wait3A_126 = arith.constant 0 : i32
    %dma_wait3A_127 = tpu.memref_slice %arg10[%dma_wait3A_125, %dma_wait3A_126] : memref<1024x1024xf32, #tpu.memory_space<vmem>> -> memref<512x1024xf32, #tpu.memory_space<vmem>>
    tpu.wait_dma2 semaphore(%arg38 : memref<!tpu.dma_semaphore, #tpu.memory_space<semaphore_mem>>) src(%dma_wait3A_127 : memref<512x1024xf32, #tpu.memory_space<vmem>>) dst(%dma_wait3A_124 : memref<512x1024xf32, #tpu.memory_space<hbm>>)
    %dma_wait3A_128 = arith.constant 0 : i32
    %dma_wait3A_129 = arith.constant 0 : i32
    %dma_wait3A_130 = tpu.memref_slice %arg3[%dma_wait3A_128, %dma_wait3A_129] : memref<100000x1024xf32, #tpu.memory_space<hbm>> -> memref<512x1024xf32, #tpu.memory_space<hbm>>
    %dma_wait3A_131 = arith.constant 0 : i32
    %dma_wait3A_132 = arith.constant 0 : i32
    %dma_wait3A_133 = tpu.memref_slice %arg11[%dma_wait3A_131, %dma_wait3A_132] : memref<1024x1024xf32, #tpu.memory_space<vmem>> -> memref<512x1024xf32, #tpu.memory_space<vmem>>
    tpu.wait_dma2 semaphore(%arg41 : memref<!tpu.dma_semaphore, #tpu.memory_space<semaphore_mem>>) src(%dma_wait3A_133 : memref<512x1024xf32, #tpu.memory_space<vmem>>) dst(%dma_wait3A_130 : memref<512x1024xf32, #tpu.memory_space<hbm>>)
    %dma_wait3A_134 = arith.constant 512 : i32
    %dma_wait3A_135 = arith.constant 0 : i32
    %dma_wait3A_136 = tpu.memref_slice %arg3[%dma_wait3A_134, %dma_wait3A_135] : memref<100000x1024xf32, #tpu.memory_space<hbm>> -> memref<512x1024xf32, #tpu.memory_space<hbm>>
    %dma_wait3A_137 = arith.constant 512 : i32
    %dma_wait3A_138 = arith.constant 0 : i32
    %dma_wait3A_139 = tpu.memref_slice %arg11[%dma_wait3A_137, %dma_wait3A_138] : memref<1024x1024xf32, #tpu.memory_space<vmem>> -> memref<512x1024xf32, #tpu.memory_space<vmem>>
    tpu.wait_dma2 semaphore(%arg42 : memref<!tpu.dma_semaphore, #tpu.memory_space<semaphore_mem>>) src(%dma_wait3A_139 : memref<512x1024xf32, #tpu.memory_space<vmem>>) dst(%dma_wait3A_136 : memref<512x1024xf32, #tpu.memory_space<hbm>>)
    %dma_wait3A_140 = arith.constant 0 : i32
    %dma_wait3A_141 = arith.constant 0 : i32
    %dma_wait3A_142 = tpu.memref_slice %arg3[%dma_wait3A_140, %dma_wait3A_141] : memref<100000x1024xf32, #tpu.memory_space<hbm>> -> memref<512x1024xf32, #tpu.memory_space<hbm>>
    %dma_wait3A_143 = arith.constant 0 : i32
    %dma_wait3A_144 = arith.constant 0 : i32
    %dma_wait3A_145 = tpu.memref_slice %arg4[%dma_wait3A_143, %dma_wait3A_144] : memref<1024x1024xf32, #tpu.memory_space<vmem>> -> memref<512x1024xf32, #tpu.memory_space<vmem>>
    tpu.wait_dma2 semaphore(%arg13 : memref<!tpu.dma_semaphore, #tpu.memory_space<semaphore_mem>>) src(%dma_wait3A_145 : memref<512x1024xf32, #tpu.memory_space<vmem>>) dst(%dma_wait3A_142 : memref<512x1024xf32, #tpu.memory_space<hbm>>)
    %dma_wait3A_146 = arith.constant 512 : i32
    %dma_wait3A_147 = arith.constant 0 : i32
    %dma_wait3A_148 = tpu.memref_slice %arg3[%dma_wait3A_146, %dma_wait3A_147] : memref<100000x1024xf32, #tpu.memory_space<hbm>> -> memref<512x1024xf32, #tpu.memory_space<hbm>>
    %dma_wait3A_149 = arith.constant 512 : i32
    %dma_wait3A_150 = arith.constant 0 : i32
    %dma_wait3A_151 = tpu.memref_slice %arg4[%dma_wait3A_149, %dma_wait3A_150] : memref<1024x1024xf32, #tpu.memory_space<vmem>> -> memref<512x1024xf32, #tpu.memory_space<vmem>>
    tpu.wait_dma2 semaphore(%arg14 : memref<!tpu.dma_semaphore, #tpu.memory_space<semaphore_mem>>) src(%dma_wait3A_151 : memref<512x1024xf32, #tpu.memory_space<vmem>>) dst(%dma_wait3A_148 : memref<512x1024xf32, #tpu.memory_space<hbm>>)
    %dma_wait3A_152 = arith.constant 99328 : i32
    %dma_wait3A_153 = arith.constant 0 : i32
    %dma_wait3A_154 = tpu.memref_slice %arg3[%dma_wait3A_152, %dma_wait3A_153] : memref<100000x1024xf32, #tpu.memory_space<hbm>> -> memref<672x1024xf32, #tpu.memory_space<hbm>>
    tpu.wait_dma2 semaphore(%arg45 : memref<!tpu.dma_semaphore, #tpu.memory_space<semaphore_mem>>) src(%arg12 : memref<672x1024xf32, #tpu.memory_space<vmem>>) dst(%dma_wait3A_154 : memref<672x1024xf32, #tpu.memory_space<hbm>>)
    return
  }
}

</mosaic_0001>

<sc_bundles>
// kernel: kernel.4.cloned.1.call-start
scs
__scs_entry_jumppad:
0x0: {  	(pc) =	sbr.rel $0x88, $3  }
0x1: {  	(tag) =	ssettag $0x0;
	lr =	simm.s32 $0x1  }
0x2: {  	[smem:$0x3F9D] =	sst lr;
	_ =	strace $0xD0000000  }
0x3: {  	_ = 	snop  }
0x4: {  	_ = 	snop  }
0x5: {  	_ = 	snop  }
0x6: {  	_ = 	snop  }
0x7: {  	_ = 	snop  }
__scs_overlays_trampoline_lowered:
0x8: {  	[smem:$0x3FAC] =	sst s0  }
0x9: {  	[smem:$0x3FAD] =	sst s1  }
0xa: {  	[smem:$0x3FAE] =	sst s2  }
0xb: {  	[smem:$0x3FAF] =	sst s3  }
0xc: {  	[smem:$0x3FB0] =	sst s4  }
0xd: {  	[smem:$0x3FB1] =	sst s5  }
0xe: {  	[smem:$0x3FB2] =	sst s6  }
0xf: {  	[smem:$0x3FB3] =	sst s7  }
0x10: {  	[smem:$0x3FB4] =	sst s8  }
0x11: {  	[smem:$0x3FB5] =	sst s9;
	s0 =	simm.s32 @!p0 $0x0  }
0x12: {  	s1 =	sld [smem:$0x3F9B];
	s0 =	simm.s32 @p0 $0x1  }
0x13: {  	[smem:$0x3FB6] =	sst s0;
	s0 =	simm.s32 @!p1 $0x0  }
0x14: {  	s2 =	sld [smem:$0x3F9A];
	s0 =	simm.s32 @p1 $0x1  }
0x15: {  	[smem:$0x3FB7] =	sst s0;
	s0 =	simm.s32 @!p2 $0x0  }
0x16: {  	s3 =	sld [smem:$0x3FDB];
	s0 =	simm.s32 @p2 $0x1  }
0x17: {  	s4 =	simm.s32 $0x1BF5;
	[smem:$0x3FB9] =	sst s0  }
0x18: {  	s0 =	sld [smem:$0x3F9C];
	_ =	swait.ge [sflag:s4], $0x0  }
0x19: {  	s7 =	sld [smem:$0x3F9D]  }
0x1a: {  	s8 =	sadd.s32 $0xFFFFE003, lr  }
0x1b: {  	s9 =	sadd.s32 $0xFFFFFEF7, lr;
	s5 =	simm.s32 $0xFFFFFFFF;
	p2 =	slt.u32 s8, $0xFFFFF086  }
0x1c: {  	p1 =	slt.u32 s9, $0xF7A;
	s5 =	simm.s32 @!p2 $0x0  }
0x1d: {  	s5 =	simm.s32 @p1 $0x1;
	p0 =	seq.s32 s7, s2  }
0x1e: {  	s7 =	smul.u32 @!p0 $0xF7A, s2;
	p2 =	seq.s32 @!p0 s5, $0x0  }
0x1f: {  	s9 =	smul.u32 $0xF7A, s1;
	s8 =	simm.s32 @!p0 $0x1BF5;
	p2 =	por !p2, p0  }
0x20: {  	[sflag:s8] =	ssyncset.s32 @!p0 $0xFFFFF086;
	s6 =	sadd.s32 @!p0 s3, s7;
	s7 =	simm.s32 @!p0 $0x108  }
0x21: {  	s3 =	sadd.s32 s3, s9;
	s6 =	sadd.s32 @!p0 $0x88, s6;
	s7 =	simm.s32 @p2 $0x1082  }
0x22: {  	[simem:s7], [sflag:s8] =	dma.local @!p0 [hbm:s6], $0xF7A  }
0x23: {  	s9 =	sor.u32 $0xD0000000, s2;
	s6 =	simm.s32 $0x108;
	_ =	swait.ge @!p0 [sflag:s8], $0x0  }
0x24: {  	s3 =	sadd.s32 $0x88, s3;
	s6 =	simm.s32 @!p1 $0x1082;
	[sflag:s4] =	ssyncset.s32 $0xFFFFF086  }
0x25: {  	[simem:s6], [sflag:s4] =	dma.local [hbm:s3], $0xF7A  }
0x26: {  	[smem:$0x3F9D] =	sst s1;
	(tag) =	ssettag s2;
	_ =	strace s9  }
0x27: {  	s1 =	sld [smem:$0x3FAD]  }
0x28: {  	s2 =	sld [smem:$0x3FAE]  }
0x29: {  	s4 =	sld [smem:$0x3FB0]  }
0x2a: {  	p0 =	seq.s32 s5, $0x0;
	s5 =	sld [smem:$0x3FB1]  }
0x2b: {  	s6 =	sld [smem:$0x3FB2]  }
0x2c: {  	s7 =	sld [smem:$0x3FB3]  }
0x2d: {  	s3 =	simm.s32 $0x108;
	s8 =	sld [smem:$0x3FB4]  }
0x2e: {  	s3 =	simm.s32 @!p0 $0x1082;
	s9 =	sld [smem:$0x3FB5]  }
0x2f: {  	lr =	sadd.s32 s0, s3;
	s0 =	sld [smem:$0x3FAC]  }
0x30: {  	s3 =	sld [smem:$0x3FAF]  }
0x31: {  	[smem:$0x3FB8] =	sst s10  }
0x32: {  	s10 =	sld [smem:$0x3FB6];
	_ =	sdelay $0x3  }
0x33: {  	p0 =	seq.s32 s10, $0x1;
	s10 =	sld [smem:$0x3FB8];
	_ =	sdelay $0x3  }
0x34: {  	[smem:$0x3FB8] =	sst s10  }
0x35: {  	s10 =	sld [smem:$0x3FB7];
	_ =	sdelay $0x3  }
0x36: {  	p1 =	seq.s32 s10, $0x1;
	s10 =	sld [smem:$0x3FB8];
	_ =	sdelay $0x3  }
0x37: {  	[smem:$0x3FB8] =	sst s10  }
0x38: {  	s10 =	sld [smem:$0x3FB9]  }
0x39: {  	_ = 	snop;
	(pc) =	sbr.ind lr, $3  }
0x3a: {  	_ = 	snop  }
0x3b: {  	_ = 	snop  }
0x3c: {  	p2 =	seq.s32 s10, $0x1;
	s10 =	sld [smem:$0x3FB8]  }
0x3d: {  	_ =	shalt  }
0x3e: {  	_ =	shalt  }
0x3f: {  	_ =	shalt  }
0x40: {  	_ =	shalt  }
0x41: {  	_ =	shalt  }
0x42: {  	_ =	shalt  }
0x43: {  	_ =	shalt  }
0x44: {  	_ =	shalt  }
0x45: {  	_ =	shalt  }
0x46: {  	_ =	shalt  }
0x47: {  	_ =	shalt  }
0x48: {  	_ =	shalt  }
0x49: {  	_ =	shalt  }
0x4a: {  	_ =	shalt  }
0x4b: {  	_ =	shalt  }
0x4c: {  	_ =	shalt  }
0x4d: {  	_ =	shalt  }
0x4e: {  	_ =	shalt  }
0x4f: {  	_ =	shalt  }
0x50: {  	_ =	shalt  }
0x51: {  	_ =	shalt  }
0x52: {  	_ =	shalt  }
0x53: {  	_ =	shalt  }
0x54: {  	_ =	shalt  }
0x55: {  	_ =	shalt  }
0x56: {  	_ =	shalt  }
0x57: {  	_ =	shalt  }
0x58: {  	_ =	shalt  }
0x59: {  	_ =	shalt  }
0x5a: {  	_ =	shalt  }
0x5b: {  	_ =	shalt  }
0x5c: {  	_ =	shalt  }
0x5d: {  	_ =	shalt  }
0x5e: {  	_ =	shalt  }
0x5f: {  	_ =	shalt  }
0x60: {  	_ =	shalt  }
0x61: {  	_ =	shalt  }
0x62: {  	_ =	shalt  }
0x63: {  	_ =	shalt  }
0x64: {  	_ =	shalt  }
0x65: {  	_ =	shalt  }
0x66: {  	_ =	shalt  }
0x67: {  	_ =	shalt  }
0x68: {  	_ =	shalt  }
0x69: {  	_ =	shalt  }
0x6a: {  	_ =	shalt  }
0x6b: {  	_ =	shalt  }
0x6c: {  	_ =	shalt  }
0x6d: {  	_ =	shalt  }
0x6e: {  	_ =	shalt  }
0x6f: {  	_ =	shalt  }
0x70: {  	_ =	shalt  }
0x71: {  	_ =	shalt  }
0x72: {  	_ =	shalt  }
0x73: {  	_ =	shalt  }
0x74: {  	_ =	shalt  }
0x75: {  	_ =	shalt  }
0x76: {  	_ =	shalt  }
0x77: {  	_ =	shalt  }
0x78: {  	_ =	shalt  }
0x79: {  	_ =	shalt  }
0x7a: {  	_ =	shalt  }
0x7b: {  	_ =	shalt  }
0x7c: {  	_ =	shalt  }
0x7d: {  	_ =	shalt  }
0x7e: {  	_ =	shalt  }
0x7f: {  	_ =	shalt  }
0x80: {  	_ =	shalt  }
0x81: {  	_ =	shalt  }
0x82: {  	_ =	shalt  }
0x83: {  	_ =	shalt  }
0x84: {  	_ =	shalt  }
0x85: {  	_ =	shalt  }
0x86: {  	_ =	shalt  }
0x87: {  	_ =	shalt  }
.Lfunc_end0:
.L_simem_size_0:
called_computation_lowered:
.L_overlay_start_0:
0x88: {  	s2 =	sld [smem:$0x3FD9]  }
0x89: {  	s3 =	sld [smem:$0x3FFE];
	_ =	sdelay $0x1  }
0x8a: {  	s1 =	srdreg.scid  }
0x8b: {  	s0 =	sand.u32 $0x1, s1  }
0x8c: {  	s17 =	sshll.u32 s0, $0xA;
	s2 =	sadd.s32 s3, s2  }
0x8d: {  	s2 =	sadd.s32 s2, s17  }
0x8e: {  	[smem:$0x3FC4] =	sst s2  }
0x8f: {  	_ = 	snop  }
0x90: {  	s2 =	sld [smem:$0x3FD0];
	(tm) =	ssettm $0x1  }
0x91: {  	s18 =	sld [smem:$0x3FFB];
	_ =	sdelay $0x3  }
0x92: {  	_ =	strace s18  }
0x93: {  	s3 =	sld [smem:$0x3FFC];
	_ =	sdelay $0x3  }
0x94: {  	_ =	strace s3  }
0x95: {  	s3 =	sld [smem:$0x3FFD];
	_ =	sdelay $0x3  }
0x96: {  	_ =	strace s3  }
0x97: {  	_ =	strace $0x8FFFFFFF  }
0x98: {  	s19 =	sld [smem:$0x3FDB];
	_ =	sdelay $0x1  }
0x99: {  	s4 =	simm.s32 $_scs_section_size  }
0x9a: {  	s5 =	simm.s32 $_size__tile_overlayer_lowered;
	s6 =	simm.s32 $_tile_overlayer_lowered  }
0x9b: {  	s22 =	simm.s32 $0x1BFF;
	s21 =	sshll.u32 s6, $0x1;
	s3 =	sadd.s32 s4, s19  }
0x9c: {  	s7 =	simm.s32 $0x0;
	s20 =	sshll.u32 s5, $0x1;
	s5 =	sadd.s32 s21, s3  }
0x9d: {  	[timem:s7], [sflag:s22] =	dma.local [hbm:s5], s20  }
0x9e: {  	_ =	swait.ge [sflag:s22], s20  }
0x9f: {  	s4 =	ssub.s32 $0x0, s20;
	[sflag:s22] =	ssyncset.done $0x0  }
0xa0: {  	[sflag:s22] =	ssyncadd.s32 s4;
	_ =	sdelay $0x1  }
0xa1: {  	s23 =	simm.s32 $0x1B8B  }
0xa2: {  	_ =	swait.ge [sflag:s23], $0x1  }
0xa3: {  	[sflag:s23] =	ssyncset.done $0x0  }
0xa4: {  	s25 =	simm.s32 $0x1B8E;
	s24 =	sld [smem:$0x3FFE];
	[sflag:s23] =	ssyncadd.s32 $0xFFFFFFFF  }
0xa5: {  	s26 =	simm.s32 $execute0_lowered;
	[smem:$0x3FD2] =	sst s25  }
0xa6: {  	s5 =	sshll.u32 s26, $0x1;
	_ =	strace $0x80000046;
	[dreg:$0x1] =	wrdreg $0xFFFFFFFF  }
0xa7: {  	s28 =	simm.s32 $_size_execute0_lowered;
	s3 =	sadd.s32 s3, s5;
	[dreg:$0x0] =	wrdreg $0x0  }
0xa8: {  	s5 =	sshll.u32 s28, $0x1;
	[dreg:$0x2] =	wrdreg s3  }
0xa9: {  	[dreg:$0x3] =	wrdreg s5  }
0xaa: {  	[dreg:$0x4] =	wrdreg $0xC0  }
0xab: {  	_ =	task [dreg:s7], $0x5FFFF  }
0xac: {  	[dreg:$0x1] =	wrdreg $0xFFFFFFFF  }
0xad: {  	[dreg:$0x0] =	wrdreg $0x60  }
0xae: {  	[dreg:$0x2] =	wrdreg s24  }
0xaf: {  	[dreg:$0x3] =	wrdreg s2  }
0xb0: {  	[dreg:$0x4] =	wrdreg $0x9  }
0xb1: {  	_ =	task.clear_ibuf [dreg:s7], $0x5FFFF;
	_ =	strace $0x90000046  }
0xb2: {  	s29 =	simm.s32 $0x9;
	_ =	strace $0x80000048  }
0xb3: {  	_ =	swait.ge [sflag:s29], $0x1  }
0xb4: {  	[sflag:s29] =	ssyncadd.s32 $0xFFFFFFFF  }
0xb5: {  	_ =	strace $0x90000048  }
0xb6: {  	_ =	sfence  }
0xb7: {  	s30 =	sld [smem:$0x0];
	_ =	sdelay $0x2  }
0xb8: {  	s31 =	sshll.u32 s1, $0xD;
	s1 =	sshrl.u32 s1, $0x2  }
0xb9: {  	s3 =	sand.u32 $0x4000, s31;
	s1 =	sadd.s32 s1, s30  }
0xba: {  	s0 =	sor.u32 s3, s0;
	s1 =	sshll.u32 s1, $0x11  }
0xbb: {  	s0 =	sor.u32 s1, s0  }
0xbc: {  	s0 =	sadd.s32 $0x8F2B, s0  }
0xbd: {  	[sflag:s0] =	ssyncadd.remote.s32 $0x1  }
0xbe: {  	_ =	sfence.sel $0xFFFF  }
0xbf: {  	[dreg:$0x0] =	wrdreg $0xFFFFFFFF;
	(pc) =	sbr.abs _section_cstart, $3  }
0xc0: {  	[dreg:$0x1] =	wrdreg $0xFFFFFFFF  }
0xc1: {  	_ =	task.clear_ibuf [dreg:s7], $0x2FFFF;
	_ =	strace $0x9FFFFFFF  }
0xc2: {  	(tm) =	ssettm $0x7FFFFFFF  }
0xc3: {  	_ =	shalt  }
tec
execute0_lowered:
.L_overlay_start_1:
0x0: {  	(tag) =	ssettag $0x1  }
0x1: {  	s3 =	rddreg [dreg:$0x0];
	s1 =	srdreg.scid  }
0x2: {  	s0 =	stileid.u32;
	s5 =	rddreg [dreg:$0x1]  }
0x3: {  	s2 =	simm.s32 $0x0;
	s9 =	simm.s32 $0x280;
	s10 =	simm.s32 $0xA80  }
0x4: {  	s11 =	simm.s32 $0x100;
	s12 =	simm.s32 $0x1280;
	s13 =	simm.s32 $0x180  }
0x5: {  	s14 =	simm.s32 $0x1A80;
	s15 =	simm.s32 $0x200;
	s16 =	simm.s32 $0x2280  }
0x6: {  	s17 =	simm.s32 $0x1;
	s18 =	simm.s32 $0x2A80;
	s19 =	simm.s32 $0x0  }
0x7: {  	s4 =	sand.u32 $0x1, s1;
	s6 =	sshll.u32 s0, $0x1;
	s1 =	rddreg [dreg:$0x2]  }
0x8: {  	[smem:$0x7FF] =	sst s2;
	s6 =	sor.u32 s4, s6;
	s4 =	ssub.s32 $0x2, s4  }
0x9: {  	s7 =	smul.u32 $0x50, s6;
	s8 =	sshrl.u32 s4, $0x1;
	s6 =	sshll.u32 s6, $0x6  }
0xa: {  	_ =	strace $0x80000047;
	s8 =	ssub.s32 s4, s8;
	s5 =	sadd.s32 s5, s6  }
0xb: {  	s7 =	sadd.s32 s7, s3;
	s3 =	sadd.s32 $0x1800, s3;
	s6 =	smax.u32 s8, $0x1  }
0xc: {  	s8 =	simm.s32 $0x80;
	s4 =	sadd.s32 $0xE00, s7;
	s7 =	simm.s32 $0x2  }
.LBB2_1:
0xd: {  	[tilespmem:s2], [sflag:$0x2] =	stream.linear.gather [hbm4b:s4+s2], $0x280, $0x38;
	[tilespmem:$0x2C80] =	vst v63  }
0xe: {  	_ =	swait.ge [sflag:s7], $0x280  }
0xf: {  	[sflag:s7] =	ssyncset.done $0x0  }
0x10: {  	[sflag:s7] =	ssyncadd.s32 $0xFFFFFD80  }
0x11: {  	[tilespmem:s9], [sflag:$0x1] =	stream.indirect.gather [hbm4b:s3+s8], $0x10, s2, s8, $0xb8;
	[tilespmem:$0x2C80] =	vst v63  }
0x12: {  	_ = 	snop  }
0x13: {  	[tilespmem:s10], [sflag:$0x1] =	stream.indirect.gather [hbm4b:s3+s8], $0x10, s8, s8, $0xb8;
	[tilespmem:$0x2C80] =	vst v63  }
0x14: {  	_ = 	snop  }
0x15: {  	[tilespmem:s12], [sflag:$0x1] =	stream.indirect.gather [hbm4b:s3+s8], $0x10, s11, s8, $0xb8;
	[tilespmem:$0x2C80] =	vst v63  }
0x16: {  	_ = 	snop  }
0x17: {  	[tilespmem:s14], [sflag:$0x1] =	stream.indirect.gather [hbm4b:s3+s8], $0x10, s13, s8, $0xb8;
	[tilespmem:$0x2C80] =	vst v63  }
0x18: {  	_ = 	snop  }
0x19: {  	[tilespmem:s16], [sflag:$0x1] =	stream.indirect.gather [hbm4b:s3+s8], $0x10, s15, s8, $0xb8;
	[tilespmem:$0x2C80] =	vst v63  }
0x1a: {  	_ =	swait.ge [sflag:s17], $0x800  }
0x1b: {  	[sflag:s17] =	ssyncset.done $0x0  }
0x1c: {  	[sflag:s17] =	ssyncadd.s32 $0xFFFFF800  }
0x1d: {  	_ =	swait.ge [sflag:s17], $0x800  }
0x1e: {  	[sflag:s17] =	ssyncset.done $0x0  }
0x1f: {  	[sflag:s17] =	ssyncadd.s32 $0xFFFFF800  }
0x20: {  	_ =	swait.ge [sflag:s17], $0x800  }
0x21: {  	[sflag:s17] =	ssyncset.done $0x0  }
0x22: {  	[sflag:s17] =	ssyncadd.s32 $0xFFFFF800  }
0x23: {  	_ =	swait.ge [sflag:s17], $0x800  }
0x24: {  	[sflag:s17] =	ssyncset.done $0x0  }
0x25: {  	[sflag:s17] =	ssyncadd.s32 $0xFFFFF800  }
0x26: {  	_ =	swait.ge [sflag:s17], $0x800  }
0x27: {  	[sflag:s17] =	ssyncset.done $0x0  }
0x28: {  	s21 =	simm.s32 $0x320;
	[sflag:s17] =	ssyncadd.s32 $0xFFFFF800  }
0x29: {  	v0 =	vld [tilespmem:s21+$0xFFFFFF70]  }
0x2a: {  	s22 =	simm.s32 $0x40;
	s20 =	simm.s32 $0x0;
	v1 =	vld [tilespmem:s21+$0xFFFFFF60]  }
.LBB2_2:
0x2b: {  	p0 =	sne.s32 s22, $0x7C0  }
0x2c: {  	v2 =	vld [tilespmem:s21+$0xFFFFFF80];
	_ =	sdelay $0x1  }
0x2d: {  	v3 =	vld [tilespmem:s21+$0xFFFFFF90]  }
0x2e: {  	v0 =	vadd.f32 v0, v1  }
0x2f: {  	v1 =	vld [tilespmem:s21+$0xFFFFFFA0]  }
0x30: {  	v0 =	vadd.f32 v2, v0  }
0x31: {  	v2 =	vld [tilespmem:s21+$0xFFFFFFB0]  }
0x32: {  	v0 =	vadd.f32 v3, v0  }
0x33: {  	v3 =	vld [tilespmem:s21+$0xFFFFFFC0]  }
0x34: {  	v0 =	vadd.f32 v1, v0  }
0x35: {  	v1 =	vld [tilespmem:s21+$0xFFFFFFD0]  }
0x36: {  	v0 =	vadd.f32 v2, v0  }
0x37: {  	v2 =	vld [tilespmem:s21+$0xFFFFFFE0]  }
0x38: {  	v0 =	vadd.f32 v3, v0  }
0x39: {  	v3 =	vld [tilespmem:s21+$0xFFFFFFF0]  }
0x3a: {  	v0 =	vadd.f32 v1, v0  }
0x3b: {  	v1 =	vld [tilespmem:s21+$0x0]  }
0x3c: {  	v0 =	vadd.f32 v2, v0  }
0x3d: {  	v2 =	vld [tilespmem:s21+$0x10]  }
0x3e: {  	v0 =	vadd.f32 v3, v0  }
0x3f: {  	v3 =	vld [tilespmem:s21+$0x20]  }
0x40: {  	v0 =	vadd.f32 v1, v0  }
0x41: {  	v1 =	vld [tilespmem:s21+$0x30]  }
0x42: {  	v0 =	vadd.f32 v2, v0  }
0x43: {  	v2 =	vld [tilespmem:s21+$0x40]  }
0x44: {  	v0 =	vadd.f32 v3, v0  }
0x45: {  	v3 =	vld [tilespmem:s21+$0x50]  }
0x46: {  	v0 =	vadd.f32 v1, v0  }
0x47: {  	v1 =	vld [tilespmem:s21+$0x60]  }
0x48: {  	v0 =	vadd.f32 v2, v0  }
0x49: {  	v2 =	vld [tilespmem:s21+$0x70]  }
0x4a: {  	v0 =	vadd.f32 v3, v0  }
0x4b: {  	v3 =	vld [tilespmem:s21+$0x80]  }
0x4c: {  	v0 =	vadd.f32 v1, v0  }
0x4d: {  	v1 =	vld [tilespmem:s21+$0x90]  }
0x4e: {  	v0 =	vadd.f32 v2, v0;
	_ =	sdelay $0x1  }
0x4f: {  	v0 =	vadd.f32 v3, v0;
	_ =	sdelay $0x1  }
0x50: {  	v0 =	vadd.f32 v1, v0;
	_ =	sdelay $0x1  }
.Ltmp0:
0x51: {  	v0 =	vmul.f32 $5.000000070e-02, v0;
	(pc) =	sbr.rel @p0 .LBB2_2-.Ltmp0, $4  }
0x52: {  	s23 =	sshra.s32 s20, $0x2;
	s20 =	smov.u32 s22  }
0x53: {  	s21 =	sadd.s32 $0x140, s21;
	[tilespmem:s23+$0x2A80] =	vst v0  }
0x54: {  	v0 =	vld [tilespmem:s21+$0xFFFFFF70]  }
0x55: {  	s22 =	sadd.s32 $0x40, s22;
	v1 =	vld [tilespmem:s21+$0xFFFFFF60]  }
0x56: {  	_ = 	snop  }
0x57: {  	v2 =	vld [tilespmem:s21+$0xFFFFFF80];
	_ =	sdelay $0x1  }
0x58: {  	v3 =	vld [tilespmem:s21+$0xFFFFFF90]  }
0x59: {  	v0 =	vadd.f32 v0, v1  }
0x5a: {  	v48 =	vld [tilespmem:s21+$0xFFFFFFA0]  }
0x5b: {  	v0 =	vadd.f32 v2, v0  }
0x5c: {  	v49 =	vld [tilespmem:s21+$0xFFFFFFB0]  }
0x5d: {  	v0 =	vadd.f32 v3, v0  }
0x5e: {  	v50 =	vld [tilespmem:s21+$0xFFFFFFC0]  }
0x5f: {  	v0 =	vadd.f32 v48, v0  }
0x60: {  	v51 =	vld [tilespmem:s21+$0xFFFFFFD0]  }
0x61: {  	v0 =	vadd.f32 v49, v0  }
0x62: {  	v52 =	vld [tilespmem:s21+$0xFFFFFFE0]  }
0x63: {  	v0 =	vadd.f32 v50, v0  }
0x64: {  	v53 =	vld [tilespmem:s21+$0xFFFFFFF0]  }
0x65: {  	v0 =	vadd.f32 v51, v0  }
0x66: {  	v54 =	vld [tilespmem:s21+$0x0]  }
0x67: {  	v0 =	vadd.f32 v52, v0  }
0x68: {  	v55 =	vld [tilespmem:s21+$0x10]  }
0x69: {  	v0 =	vadd.f32 v53, v0  }
0x6a: {  	v56 =	vld [tilespmem:s21+$0x20]  }
0x6b: {  	v0 =	vadd.f32 v54, v0  }
0x6c: {  	v57 =	vld [tilespmem:s21+$0x30]  }
0x6d: {  	v0 =	vadd.f32 v55, v0  }
0x6e: {  	v58 =	vld [tilespmem:s21+$0x40]  }
0x6f: {  	v0 =	vadd.f32 v56, v0  }
0x70: {  	v59 =	vld [tilespmem:s21+$0x50]  }
0x71: {  	v0 =	vadd.f32 v57, v0  }
0x72: {  	v60 =	vld [tilespmem:s21+$0x60]  }
0x73: {  	v0 =	vadd.f32 v58, v0  }
0x74: {  	v61 =	vld [tilespmem:s21+$0x70]  }
0x75: {  	v0 =	vadd.f32 v59, v0  }
0x76: {  	v62 =	vld [tilespmem:s21+$0x80]  }
0x77: {  	v0 =	vadd.f32 v60, v0  }
0x78: {  	v63 =	vld [tilespmem:s21+$0x90]  }
0x79: {  	v0 =	vadd.f32 v61, v0;
	_ =	sdelay $0x1  }
0x7a: {  	v0 =	vadd.f32 v62, v0;
	_ =	sdelay $0x1  }
0x7b: {  	v0 =	vadd.f32 v63, v0;
	_ =	sdelay $0x1  }
0x7c: {  	s19 =	sadd.s32 $0x1, s19;
	v0 =	vmul.f32 $5.000000070e-02, v0  }
0x7d: {  	s20 =	sshra.s32 s20, $0x2;
	p0 =	sne.s32 s19, s6  }
.Ltmp1:
0x7e: {  	[tilespmem:s20+$0x2A80] =	vst v0;
	(pc) =	sbr.rel @p0 .LBB2_1-.Ltmp1, $4  }
0x7f: {  	[hbm4b:s5+s2] =	stream.linear.scatter [tilespmem:s18], [sflag:$0x2], $0x200, $0x38;
	[tilespmem:$0x2C80] =	vst v63  }
0x80: {  	_ =	swait.ge [sflag:s7], $0x200  }
0x81: {  	[sflag:s7] =	ssyncset.done $0x0  }
0x82: {  	[sflag:s7] =	ssyncadd.s32 $0xFFFFFE00  }
0x83: {  	_ =	sfence.sel $0x180000  }
0x84: {  	[bflag:$0x0] =	sbarrier.arrive $0xFFFF  }
0x85: {  	p0 =	sne.s32 s0, $0x0;
	_ =	strace $0x90000047  }
0x86: {  	s0 =	sadd.s32 @!p0 $0x100000, s1;
	[bflag:$0x2] =	sbarrier.arrive $0xFFFF  }
0x87: {  	[sflag:s0] =	ssyncadd.tile.s32 @!p0 $0x1;
	_ =	shalt  }
.Lfunc_end2:
_tile_overlayer_lowered:
.L_overlay_start_2:
0x88: {  	(tag) =	ssettag $0x2  }
0x89: {  	s0 =	rddreg [dreg:$0x0];
	s2 =	stileid.u32  }
0x8a: {  	s1 =	rddreg [dreg:$0x1];
	p0 =	sne.s32 s2, $0x0  }
0x8b: {  	s3 =	rddreg [dreg:$0x2];
	[bflag:$0x3] =	sbarrier.arrive $0xFFFF;
	s2 =	simm.s32 @!p0 $0x1C02  }
0x8c: {  	[timem:s3], [sflag:s2] =	dma.local @!p0 [hbm:s0], s1  }
0x8d: {  	s0 =	simm.s32 @!p0 $0x2  }
0x8e: {  	_ =	swait.ge @!p0 [sflag:s0], s1  }
0x8f: {  	s1 =	ssub.s32 @!p0 $0x0, s1;
	[sflag:s0] =	ssyncset.done @!p0 $0x0  }
0x90: {  	[sflag:s0] =	ssyncadd.s32 @!p0 s1  }
0x91: {  	[bflag:$0x3] =	sbarrier.arrive $0xFFFF  }
0x92: {  	_ =	shalt  }

</sc_bundles>
